<compile_context>
chip_gen: v7x
topology: tpu7x:2x2x1
jax: 0.10.2.dev20260603
libtpu: 0.0.44.dev20260713+nightly
codegen_flags: <defaults>
</compile_context>

<pallas_src>
import functools

import jax
import jax.numpy as jnp
from jax import lax
from jax.experimental import pallas as pl
from jax.experimental.pallas import tpu as pltpu
from jax.experimental.pallas import tpu_sc as plsc

_D = 64
_C = 640
_G = 128
_NSEG = _C // _G


@functools.cache
def _make_sc_gather(n_rows, nc, ns):
    nw = nc * ns
    rw = n_rows // nw
    n = rw // _C
    assert n_rows == nw * rw and rw == n * _C and n % 2 == 0
    mesh = plsc.VectorSubcoreMesh(core_axis_name="c", subcore_axis_name="s")

    @functools.partial(
        pl.kernel,
        mesh=mesh,
        out_type=jax.ShapeDtypeStruct((n_rows, _D), jnp.float32),
        scratch_types=[
            pltpu.VMEM((rw,), jnp.int32),
            pltpu.VMEM((2, _C, _D), jnp.float32),
            pltpu.SemaphoreType.DMA,
            pltpu.SemaphoreType.DMA,
            pltpu.SemaphoreType.DMA,
            pltpu.SemaphoreType.DMA,
        ],
        compiler_params=pltpu.CompilerParams(use_tc_tiling_on_sc=False),
    )
    def gather_kernel(w_hbm, idx_hbm, out_hbm, idx_v, rows_v, gs0, gs1, os0, os1):
        wid = lax.axis_index("s") * nc + lax.axis_index("c")
        base = wid * rw
        gsems = (gs0, gs1)
        osems = (os0, os1)

        pltpu.sync_copy(idx_hbm.at[pl.ds(base, rw)], idx_v)

        def gather_cps(g, b):
            return [
                pltpu.make_async_copy(
                    w_hbm.at[idx_v.at[pl.ds(g * _C + k * _G, _G)]],
                    rows_v.at[b].at[pl.ds(k * _G, _G)],
                    gsems[b],
                )
                for k in range(_NSEG)
            ]

        def out_cp(g, b):
            return pltpu.make_async_copy(
                rows_v.at[b],
                out_hbm.at[pl.ds(base + g * _C, _C)],
                osems[b],
            )

        for c in gather_cps(0, 0):
            c.start()

        def outer_body(o, carry):
            for b in range(2):
                g = 2 * o + b
                nb = 1 - b

                @pl.when(g + 1 < n)
                def _():
                    @pl.when(g >= 1)
                    def _():
                        out_cp(g - 1, nb).wait()

                    for c in gather_cps(g + 1, nb):
                        c.start()

                for c in gather_cps(g, b):
                    c.wait()
                out_cp(g, b).start()
            return carry

        lax.fori_loop(0, n // 2, outer_body, 0)
        out_cp(n - 2, 0).wait()
        out_cp(n - 1, 1).wait()

    return gather_kernel


def kernel(x, W):
    n_batch, seq = x.shape
    info = plsc.get_sparse_core_info()
    fn = _make_sc_gather(n_batch * seq, info.num_cores, info.num_subcores)
    out = fn(W, x.reshape(-1))
    return out.reshape(n_batch, seq, W.shape[1])

# --- scband reference (transcript-rebuilt; emitter-appended) ---
"""Pipeline reference for scband-embeddings-29171417875006 (READ-ONLY COPY).

The authoritative reference and input builder live on the scoring server;
editing this copy changes nothing except your own understanding.
"""

import jax, jax.numpy as jnp
import numpy as np

VOCAB = 1000000
D_MODEL = 64

def setup_inputs(seed: int = 0) -> dict:
    key = jax.random.key(seed)
    k1, k2 = jax.random.split(key)
    x = jax.random.randint(k1, (4096, 200), 0, VOCAB, dtype=jnp.int32)
    W = jax.random.normal(k2, (VOCAB, D_MODEL), dtype=jnp.float32) * 0.02
    return {"x": x, "W": W}

def reference(x, W):
    # Embeddings.forward: return self.lut(x)
    return jnp.take(W, x, axis=0)

if __name__ == "__main__":
    import jax
    _d = setup_inputs()
    print(jax.jit(kernel)(*tuple(_d.values())))

</pallas_src>

<mosaic_0001>
#map = affine_map<(d0, d1) -> (0, 0)>
#map1 = affine_map<(d0, d1) -> (0)>
module attributes {stable_mosaic.version = 14 : i64} {
  func.func @gather_kernel(%arg0: i32, %arg1: i32, %arg2: memref<1000000x64xf32, #tpu.memory_space<hbm>>, %arg3: memref<819200xi32, #tpu.memory_space<hbm>>, %arg4: memref<819200x64xf32, #tpu.memory_space<hbm>>, %arg5: memref<25600xi32, #tpu.memory_space<vmem>>, %arg6: memref<2x640x64xf32, #tpu.memory_space<vmem>>, %arg7: memref<!tpu.dma_semaphore, #tpu.memory_space<semaphore_mem>>, %arg8: memref<!tpu.dma_semaphore, #tpu.memory_space<semaphore_mem>>, %arg9: memref<!tpu.dma_semaphore, #tpu.memory_space<semaphore_mem>>, %arg10: memref<!tpu.dma_semaphore, #tpu.memory_space<semaphore_mem>>) attributes {dimension_semantics = [#tpu.dimension_semantics<core_parallel>, #tpu.dimension_semantics<subcore_parallel>], iteration_bounds = array<i64: 2, 16>, scalar_prefetch = 0 : i64, scratch_operands = 6 : i64, tpu.core_type = #tpu.core_type<sc_vector_subcore>, window_params = [{transform_indices = #map}, {transform_indices = #map1}, {transform_indices = #map}]} {
    %mul3A = arith.constant 2 : i32
    %mul3A_0 = arith.muli %arg1, %mul3A : i32
    %add3A = arith.addi %mul3A_0, %arg0 : i32
    %mul3A_1 = arith.constant 25600 : i32
    %mul3A_2 = arith.muli %add3A, %mul3A_1 : i32
    "tpu.region"() ({
      %run_scoped3A = tpu.sem_alloc : memref<!tpu.dma_semaphore, #tpu.memory_space<semaphore_mem>>
      %dma_start3A_101 = tpu.memref_slice %arg3[%mul3A_2] : memref<819200xi32, #tpu.memory_space<hbm>> -> memref<25600xi32, #tpu.memory_space<hbm>>
      %dma_start3A_102 = tpu.memref_slice %arg3[%mul3A_2] : memref<819200xi32, #tpu.memory_space<hbm>> -> memref<25600xi32, #tpu.memory_space<hbm>>
      tpu.enqueue_dma source(%dma_start3A_102 : memref<25600xi32, #tpu.memory_space<hbm>>) target(%arg5 : memref<25600xi32, #tpu.memory_space<vmem>>) target_semaphore(%run_scoped3A : memref<!tpu.dma_semaphore, #tpu.memory_space<semaphore_mem>>)
      %dma_wait3A_103 = tpu.memref_slice %arg3[%mul3A_2] : memref<819200xi32, #tpu.memory_space<hbm>> -> memref<25600xi32, #tpu.memory_space<hbm>>
      %dma_wait3A_104 = tpu.memref_slice %arg3[%mul3A_2] : memref<819200xi32, #tpu.memory_space<hbm>> -> memref<25600xi32, #tpu.memory_space<hbm>>
      tpu.wait_dma2 semaphore(%run_scoped3A : memref<!tpu.dma_semaphore, #tpu.memory_space<semaphore_mem>>) src(%dma_wait3A_104 : memref<25600xi32, #tpu.memory_space<hbm>>) dst(%arg5 : memref<25600xi32, #tpu.memory_space<vmem>>)
      tpu.yield
    }) : () -> ()
    %dma_start3A = arith.constant 0 : i32
    %dma_start3A_3 = arith.constant 0 : i32
    %dma_start3A_4 = arith.constant 0 : i32
    %dma_start3A_5 = tpu.memref_slice %arg6[%dma_start3A, %dma_start3A_3, %dma_start3A_4] : memref<2x640x64xf32, #tpu.memory_space<vmem>> -> memref<1x640x64xf32, #tpu.memory_space<vmem>>
    %dma_start3A_6 = tpu.memref_squeeze %dma_start3A_5 : memref<1x640x64xf32, #tpu.memory_space<vmem>> -> memref<640x64xf32, #tpu.memory_space<vmem>>
    %dma_start3A_7 = arith.constant 0 : i32
    %dma_start3A_8 = arith.constant 0 : i32
    %dma_start3A_9 = tpu.memref_slice %dma_start3A_6[%dma_start3A_7, %dma_start3A_8] : memref<640x64xf32, #tpu.memory_space<vmem>> -> memref<128x64xf32, #tpu.memory_space<vmem>>
    %dma_start3A_10 = arith.constant 0 : i32
    %dma_start3A_11 = tpu.memref_slice %arg5[%dma_start3A_10] : memref<25600xi32, #tpu.memory_space<vmem>> -> memref<128xi32, #tpu.memory_space<vmem>>
    %dma_start3A_12 = arith.constant 0 : i32
    %dma_start3A_13 = arith.constant 0 : i32
    %dma_start3A_14 = tpu.memref_slice %arg2[%dma_start3A_12, %dma_start3A_13] : memref<1000000x64xf32, #tpu.memory_space<hbm>> -> memref<1000000x64xf32, #tpu.memory_space<hbm>>
    tpu.enqueue_indirect_dma source(%dma_start3A_14 : memref<1000000x64xf32, #tpu.memory_space<hbm>>) target(%dma_start3A_9 : memref<128x64xf32, #tpu.memory_space<vmem>>) offsets(%dma_start3A_11 : memref<128xi32, #tpu.memory_space<vmem>>) semaphore(%arg7 : memref<!tpu.dma_semaphore, #tpu.memory_space<semaphore_mem>>)
    %dma_start3A_15 = arith.constant 0 : i32
    %dma_start3A_16 = arith.constant 0 : i32
    %dma_start3A_17 = arith.constant 0 : i32
    %dma_start3A_18 = tpu.memref_slice %arg6[%dma_start3A_15, %dma_start3A_16, %dma_start3A_17] : memref<2x640x64xf32, #tpu.memory_space<vmem>> -> memref<1x640x64xf32, #tpu.memory_space<vmem>>
    %dma_start3A_19 = tpu.memref_squeeze %dma_start3A_18 : memref<1x640x64xf32, #tpu.memory_space<vmem>> -> memref<640x64xf32, #tpu.memory_space<vmem>>
    %dma_start3A_20 = arith.constant 128 : i32
    %dma_start3A_21 = arith.constant 0 : i32
    %dma_start3A_22 = tpu.memref_slice %dma_start3A_19[%dma_start3A_20, %dma_start3A_21] : memref<640x64xf32, #tpu.memory_space<vmem>> -> memref<128x64xf32, #tpu.memory_space<vmem>>
    %dma_start3A_23 = arith.constant 128 : i32
    %dma_start3A_24 = tpu.memref_slice %arg5[%dma_start3A_23] : memref<25600xi32, #tpu.memory_space<vmem>> -> memref<128xi32, #tpu.memory_space<vmem>>
    %dma_start3A_25 = arith.constant 0 : i32
    %dma_start3A_26 = arith.constant 0 : i32
    %dma_start3A_27 = tpu.memref_slice %arg2[%dma_start3A_25, %dma_start3A_26] : memref<1000000x64xf32, #tpu.memory_space<hbm>> -> memref<1000000x64xf32, #tpu.memory_space<hbm>>
    tpu.enqueue_indirect_dma source(%dma_start3A_27 : memref<1000000x64xf32, #tpu.memory_space<hbm>>) target(%dma_start3A_22 : memref<128x64xf32, #tpu.memory_space<vmem>>) offsets(%dma_start3A_24 : memref<128xi32, #tpu.memory_space<vmem>>) semaphore(%arg7 : memref<!tpu.dma_semaphore, #tpu.memory_space<semaphore_mem>>)
    %dma_start3A_28 = arith.constant 0 : i32
    %dma_start3A_29 = arith.constant 0 : i32
    %dma_start3A_30 = arith.constant 0 : i32
    %dma_start3A_31 = tpu.memref_slice %arg6[%dma_start3A_28, %dma_start3A_29, %dma_start3A_30] : memref<2x640x64xf32, #tpu.memory_space<vmem>> -> memref<1x640x64xf32, #tpu.memory_space<vmem>>
    %dma_start3A_32 = tpu.memref_squeeze %dma_start3A_31 : memref<1x640x64xf32, #tpu.memory_space<vmem>> -> memref<640x64xf32, #tpu.memory_space<vmem>>
    %dma_start3A_33 = arith.constant 256 : i32
    %dma_start3A_34 = arith.constant 0 : i32
    %dma_start3A_35 = tpu.memref_slice %dma_start3A_32[%dma_start3A_33, %dma_start3A_34] : memref<640x64xf32, #tpu.memory_space<vmem>> -> memref<128x64xf32, #tpu.memory_space<vmem>>
    %dma_start3A_36 = arith.constant 256 : i32
    %dma_start3A_37 = tpu.memref_slice %arg5[%dma_start3A_36] : memref<25600xi32, #tpu.memory_space<vmem>> -> memref<128xi32, #tpu.memory_space<vmem>>
    %dma_start3A_38 = arith.constant 0 : i32
    %dma_start3A_39 = arith.constant 0 : i32
    %dma_start3A_40 = tpu.memref_slice %arg2[%dma_start3A_38, %dma_start3A_39] : memref<1000000x64xf32, #tpu.memory_space<hbm>> -> memref<1000000x64xf32, #tpu.memory_space<hbm>>
    tpu.enqueue_indirect_dma source(%dma_start3A_40 : memref<1000000x64xf32, #tpu.memory_space<hbm>>) target(%dma_start3A_35 : memref<128x64xf32, #tpu.memory_space<vmem>>) offsets(%dma_start3A_37 : memref<128xi32, #tpu.memory_space<vmem>>) semaphore(%arg7 : memref<!tpu.dma_semaphore, #tpu.memory_space<semaphore_mem>>)
    %dma_start3A_41 = arith.constant 0 : i32
    %dma_start3A_42 = arith.constant 0 : i32
    %dma_start3A_43 = arith.constant 0 : i32
    %dma_start3A_44 = tpu.memref_slice %arg6[%dma_start3A_41, %dma_start3A_42, %dma_start3A_43] : memref<2x640x64xf32, #tpu.memory_space<vmem>> -> memref<1x640x64xf32, #tpu.memory_space<vmem>>
    %dma_start3A_45 = tpu.memref_squeeze %dma_start3A_44 : memref<1x640x64xf32, #tpu.memory_space<vmem>> -> memref<640x64xf32, #tpu.memory_space<vmem>>
    %dma_start3A_46 = arith.constant 384 : i32
    %dma_start3A_47 = arith.constant 0 : i32
    %dma_start3A_48 = tpu.memref_slice %dma_start3A_45[%dma_start3A_46, %dma_start3A_47] : memref<640x64xf32, #tpu.memory_space<vmem>> -> memref<128x64xf32, #tpu.memory_space<vmem>>
    %dma_start3A_49 = arith.constant 384 : i32
    %dma_start3A_50 = tpu.memref_slice %arg5[%dma_start3A_49] : memref<25600xi32, #tpu.memory_space<vmem>> -> memref<128xi32, #tpu.memory_space<vmem>>
    %dma_start3A_51 = arith.constant 0 : i32
    %dma_start3A_52 = arith.constant 0 : i32
    %dma_start3A_53 = tpu.memref_slice %arg2[%dma_start3A_51, %dma_start3A_52] : memref<1000000x64xf32, #tpu.memory_space<hbm>> -> memref<1000000x64xf32, #tpu.memory_space<hbm>>
    tpu.enqueue_indirect_dma source(%dma_start3A_53 : memref<1000000x64xf32, #tpu.memory_space<hbm>>) target(%dma_start3A_48 : memref<128x64xf32, #tpu.memory_space<vmem>>) offsets(%dma_start3A_50 : memref<128xi32, #tpu.memory_space<vmem>>) semaphore(%arg7 : memref<!tpu.dma_semaphore, #tpu.memory_space<semaphore_mem>>)
    %dma_start3A_54 = arith.constant 0 : i32
    %dma_start3A_55 = arith.constant 0 : i32
    %dma_start3A_56 = arith.constant 0 : i32
    %dma_start3A_57 = tpu.memref_slice %arg6[%dma_start3A_54, %dma_start3A_55, %dma_start3A_56] : memref<2x640x64xf32, #tpu.memory_space<vmem>> -> memref<1x640x64xf32, #tpu.memory_space<vmem>>
    %dma_start3A_58 = tpu.memref_squeeze %dma_start3A_57 : memref<1x640x64xf32, #tpu.memory_space<vmem>> -> memref<640x64xf32, #tpu.memory_space<vmem>>
    %dma_start3A_59 = arith.constant 512 : i32
    %dma_start3A_60 = arith.constant 0 : i32
    %dma_start3A_61 = tpu.memref_slice %dma_start3A_58[%dma_start3A_59, %dma_start3A_60] : memref<640x64xf32, #tpu.memory_space<vmem>> -> memref<128x64xf32, #tpu.memory_space<vmem>>
    %dma_start3A_62 = arith.constant 512 : i32
    %dma_start3A_63 = tpu.memref_slice %arg5[%dma_start3A_62] : memref<25600xi32, #tpu.memory_space<vmem>> -> memref<128xi32, #tpu.memory_space<vmem>>
    %dma_start3A_64 = arith.constant 0 : i32
    %dma_start3A_65 = arith.constant 0 : i32
    %dma_start3A_66 = tpu.memref_slice %arg2[%dma_start3A_64, %dma_start3A_65] : memref<1000000x64xf32, #tpu.memory_space<hbm>> -> memref<1000000x64xf32, #tpu.memory_space<hbm>>
    tpu.enqueue_indirect_dma source(%dma_start3A_66 : memref<1000000x64xf32, #tpu.memory_space<hbm>>) target(%dma_start3A_61 : memref<128x64xf32, #tpu.memory_space<vmem>>) offsets(%dma_start3A_63 : memref<128xi32, #tpu.memory_space<vmem>>) semaphore(%arg7 : memref<!tpu.dma_semaphore, #tpu.memory_space<semaphore_mem>>)
    %scan3A = arith.constant 0 : i32
    %scan3A_67 = arith.constant 0 : i32
    %scan3A_68 = arith.constant 20 : i32
    %scan3A_69 = arith.addi %scan3A_67, %scan3A_68 : i32
    %scan3A_70 = arith.constant 1 : i32
    scf.for %scan3A_101 = %scan3A_67 to %scan3A_69 step %scan3A_70  : i32 {
      %mul3A_102 = arith.constant 2 : i32
      %mul3A_103 = arith.muli %mul3A_102, %scan3A_101 : i32
      %add3A_104 = arith.constant 0 : i32
      %add3A_105 = arith.addi %mul3A_103, %add3A_104 : i32
      %add3A_106 = arith.constant 1 : i32
      %add3A_107 = arith.addi %add3A_105, %add3A_106 : i32
      %lt3A = arith.constant 40 : i32
      %lt3A_108 = arith.cmpi slt, %add3A_107, %lt3A : i32
      %convert_element_type3A = arith.extui %lt3A_108 : i1 to i32
      %cond3A = arith.constant 0 : i32
      %cond3A_109 = arith.cmpi ne, %convert_element_type3A, %cond3A : i32
      scf.if %cond3A_109 {
        %ge3A = arith.constant 1 : i32
        %ge3A_313 = arith.cmpi sge, %add3A_105, %ge3A : i32
        %convert_element_type3A_314 = arith.extui %ge3A_313 : i1 to i32
        %cond3A_315 = arith.constant 0 : i32
        %cond3A_316 = arith.cmpi ne, %convert_element_type3A_314, %cond3A_315 : i32
        scf.if %cond3A_316 {
          %sub3A = arith.constant 1 : i32
          %sub3A_399 = arith.subi %add3A_105, %sub3A : i32
          %mul3A_400 = arith.constant 640 : i32
          %mul3A_401 = arith.muli %sub3A_399, %mul3A_400 : i32
          %add3A_402 = arith.addi %mul3A_2, %mul3A_401 : i32
          %dma_wait3A_403 = arith.constant 1 : i32
          %dma_wait3A_404 = arith.constant 0 : i32
          %dma_wait3A_405 = arith.constant 0 : i32
          %dma_wait3A_406 = tpu.memref_slice %arg6[%dma_wait3A_403, %dma_wait3A_404, %dma_wait3A_405] : memref<2x640x64xf32, #tpu.memory_space<vmem>> -> memref<1x640x64xf32, #tpu.memory_space<vmem>>
          %dma_wait3A_407 = tpu.memref_squeeze %dma_wait3A_406 : memref<1x640x64xf32, #tpu.memory_space<vmem>> -> memref<640x64xf32, #tpu.memory_space<vmem>>
          %dma_wait3A_408 = arith.constant 0 : i32
          %dma_wait3A_409 = tpu.memref_slice %arg4[%add3A_402, %dma_wait3A_408] : memref<819200x64xf32, #tpu.memory_space<hbm>> -> memref<640x64xf32, #tpu.memory_space<hbm>>
          %dma_wait3A_410 = arith.constant 0 : i32
          %dma_wait3A_411 = tpu.memref_slice %arg4[%add3A_402, %dma_wait3A_410] : memref<819200x64xf32, #tpu.memory_space<hbm>> -> memref<640x64xf32, #tpu.memory_space<hbm>>
          %dma_wait3A_412 = arith.constant 0 : i32
          %dma_wait3A_413 = arith.constant 0 : i32
          %dma_wait3A_414 = tpu.memref_slice %arg6[%dma_wait3A_403, %dma_wait3A_412, %dma_wait3A_413] : memref<2x640x64xf32, #tpu.memory_space<vmem>> -> memref<1x640x64xf32, #tpu.memory_space<vmem>>
          %dma_wait3A_415 = tpu.memref_squeeze %dma_wait3A_414 : memref<1x640x64xf32, #tpu.memory_space<vmem>> -> memref<640x64xf32, #tpu.memory_space<vmem>>
          tpu.wait_dma2 semaphore(%arg10 : memref<!tpu.dma_semaphore, #tpu.memory_space<semaphore_mem>>) src(%dma_wait3A_415 : memref<640x64xf32, #tpu.memory_space<vmem>>) dst(%dma_wait3A_411 : memref<640x64xf32, #tpu.memory_space<hbm>>)
        } else {
        }
        %add3A_317 = arith.constant 1 : i32
        %add3A_318 = arith.addi %add3A_105, %add3A_317 : i32
        %mul3A_319 = arith.constant 640 : i32
        %mul3A_320 = arith.muli %add3A_318, %mul3A_319 : i32
        %add3A_321 = arith.constant 0 : i32
        %add3A_322 = arith.addi %mul3A_320, %add3A_321 : i32
        %mul3A_323 = arith.constant 640 : i32
        %mul3A_324 = arith.muli %add3A_318, %mul3A_323 : i32
        %add3A_325 = arith.constant 128 : i32
        %add3A_326 = arith.addi %mul3A_324, %add3A_325 : i32
        %mul3A_327 = arith.constant 640 : i32
        %mul3A_328 = arith.muli %add3A_318, %mul3A_327 : i32
        %add3A_329 = arith.constant 256 : i32
        %add3A_330 = arith.addi %mul3A_328, %add3A_329 : i32
        %mul3A_331 = arith.constant 640 : i32
        %mul3A_332 = arith.muli %add3A_318, %mul3A_331 : i32
        %add3A_333 = arith.constant 384 : i32
        %add3A_334 = arith.addi %mul3A_332, %add3A_333 : i32
        %mul3A_335 = arith.constant 640 : i32
        %mul3A_336 = arith.muli %add3A_318, %mul3A_335 : i32
        %add3A_337 = arith.constant 512 : i32
        %add3A_338 = arith.addi %mul3A_336, %add3A_337 : i32
        %dma_start3A_339 = arith.constant 1 : i32
        %dma_start3A_340 = arith.constant 0 : i32
        %dma_start3A_341 = arith.constant 0 : i32
        %dma_start3A_342 = tpu.memref_slice %arg6[%dma_start3A_339, %dma_start3A_340, %dma_start3A_341] : memref<2x640x64xf32, #tpu.memory_space<vmem>> -> memref<1x640x64xf32, #tpu.memory_space<vmem>>
        %dma_start3A_343 = tpu.memref_squeeze %dma_start3A_342 : memref<1x640x64xf32, #tpu.memory_space<vmem>> -> memref<640x64xf32, #tpu.memory_space<vmem>>
        %dma_start3A_344 = arith.constant 0 : i32
        %dma_start3A_345 = arith.constant 0 : i32
        %dma_start3A_346 = tpu.memref_slice %dma_start3A_343[%dma_start3A_344, %dma_start3A_345] : memref<640x64xf32, #tpu.memory_space<vmem>> -> memref<128x64xf32, #tpu.memory_space<vmem>>
        %dma_start3A_347 = tpu.memref_slice %arg5[%add3A_322] : memref<25600xi32, #tpu.memory_space<vmem>> -> memref<128xi32, #tpu.memory_space<vmem>>
        %dma_start3A_348 = arith.constant 0 : i32
        %dma_start3A_349 = arith.constant 0 : i32
        %dma_start3A_350 = tpu.memref_slice %arg2[%dma_start3A_348, %dma_start3A_349] : memref<1000000x64xf32, #tpu.memory_space<hbm>> -> memref<1000000x64xf32, #tpu.memory_space<hbm>>
        tpu.enqueue_indirect_dma source(%dma_start3A_350 : memref<1000000x64xf32, #tpu.memory_space<hbm>>) target(%dma_start3A_346 : memref<128x64xf32, #tpu.memory_space<vmem>>) offsets(%dma_start3A_347 : memref<128xi32, #tpu.memory_space<vmem>>) semaphore(%arg8 : memref<!tpu.dma_semaphore, #tpu.memory_space<semaphore_mem>>)
        %dma_start3A_351 = arith.constant 1 : i32
        %dma_start3A_352 = arith.constant 0 : i32
        %dma_start3A_353 = arith.constant 0 : i32
        %dma_start3A_354 = tpu.memref_slice %arg6[%dma_start3A_351, %dma_start3A_352, %dma_start3A_353] : memref<2x640x64xf32, #tpu.memory_space<vmem>> -> memref<1x640x64xf32, #tpu.memory_space<vmem>>
        %dma_start3A_355 = tpu.memref_squeeze %dma_start3A_354 : memref<1x640x64xf32, #tpu.memory_space<vmem>> -> memref<640x64xf32, #tpu.memory_space<vmem>>
        %dma_start3A_356 = arith.constant 128 : i32
        %dma_start3A_357 = arith.constant 0 : i32
        %dma_start3A_358 = tpu.memref_slice %dma_start3A_355[%dma_start3A_356, %dma_start3A_357] : memref<640x64xf32, #tpu.memory_space<vmem>> -> memref<128x64xf32, #tpu.memory_space<vmem>>
        %dma_start3A_359 = tpu.memref_slice %arg5[%add3A_326] : memref<25600xi32, #tpu.memory_space<vmem>> -> memref<128xi32, #tpu.memory_space<vmem>>
        %dma_start3A_360 = arith.constant 0 : i32
        %dma_start3A_361 = arith.constant 0 : i32
        %dma_start3A_362 = tpu.memref_slice %arg2[%dma_start3A_360, %dma_start3A_361] : memref<1000000x64xf32, #tpu.memory_space<hbm>> -> memref<1000000x64xf32, #tpu.memory_space<hbm>>
        tpu.enqueue_indirect_dma source(%dma_start3A_362 : memref<1000000x64xf32, #tpu.memory_space<hbm>>) target(%dma_start3A_358 : memref<128x64xf32, #tpu.memory_space<vmem>>) offsets(%dma_start3A_359 : memref<128xi32, #tpu.memory_space<vmem>>) semaphore(%arg8 : memref<!tpu.dma_semaphore, #tpu.memory_space<semaphore_mem>>)
        %dma_start3A_363 = arith.constant 1 : i32
        %dma_start3A_364 = arith.constant 0 : i32
        %dma_start3A_365 = arith.constant 0 : i32
        %dma_start3A_366 = tpu.memref_slice %arg6[%dma_start3A_363, %dma_start3A_364, %dma_start3A_365] : memref<2x640x64xf32, #tpu.memory_space<vmem>> -> memref<1x640x64xf32, #tpu.memory_space<vmem>>
        %dma_start3A_367 = tpu.memref_squeeze %dma_start3A_366 : memref<1x640x64xf32, #tpu.memory_space<vmem>> -> memref<640x64xf32, #tpu.memory_space<vmem>>
        %dma_start3A_368 = arith.constant 256 : i32
        %dma_start3A_369 = arith.constant 0 : i32
        %dma_start3A_370 = tpu.memref_slice %dma_start3A_367[%dma_start3A_368, %dma_start3A_369] : memref<640x64xf32, #tpu.memory_space<vmem>> -> memref<128x64xf32, #tpu.memory_space<vmem>>
        %dma_start3A_371 = tpu.memref_slice %arg5[%add3A_330] : memref<25600xi32, #tpu.memory_space<vmem>> -> memref<128xi32, #tpu.memory_space<vmem>>
        %dma_start3A_372 = arith.constant 0 : i32
        %dma_start3A_373 = arith.constant 0 : i32
        %dma_start3A_374 = tpu.memref_slice %arg2[%dma_start3A_372, %dma_start3A_373] : memref<1000000x64xf32, #tpu.memory_space<hbm>> -> memref<1000000x64xf32, #tpu.memory_space<hbm>>
        tpu.enqueue_indirect_dma source(%dma_start3A_374 : memref<1000000x64xf32, #tpu.memory_space<hbm>>) target(%dma_start3A_370 : memref<128x64xf32, #tpu.memory_space<vmem>>) offsets(%dma_start3A_371 : memref<128xi32, #tpu.memory_space<vmem>>) semaphore(%arg8 : memref<!tpu.dma_semaphore, #tpu.memory_space<semaphore_mem>>)
        %dma_start3A_375 = arith.constant 1 : i32
        %dma_start3A_376 = arith.constant 0 : i32
        %dma_start3A_377 = arith.constant 0 : i32
        %dma_start3A_378 = tpu.memref_slice %arg6[%dma_start3A_375, %dma_start3A_376, %dma_start3A_377] : memref<2x640x64xf32, #tpu.memory_space<vmem>> -> memref<1x640x64xf32, #tpu.memory_space<vmem>>
        %dma_start3A_379 = tpu.memref_squeeze %dma_start3A_378 : memref<1x640x64xf32, #tpu.memory_space<vmem>> -> memref<640x64xf32, #tpu.memory_space<vmem>>
        %dma_start3A_380 = arith.constant 384 : i32
        %dma_start3A_381 = arith.constant 0 : i32
        %dma_start3A_382 = tpu.memref_slice %dma_start3A_379[%dma_start3A_380, %dma_start3A_381] : memref<640x64xf32, #tpu.memory_space<vmem>> -> memref<128x64xf32, #tpu.memory_space<vmem>>
        %dma_start3A_383 = tpu.memref_slice %arg5[%add3A_334] : memref<25600xi32, #tpu.memory_space<vmem>> -> memref<128xi32, #tpu.memory_space<vmem>>
        %dma_start3A_384 = arith.constant 0 : i32
        %dma_start3A_385 = arith.constant 0 : i32
        %dma_start3A_386 = tpu.memref_slice %arg2[%dma_start3A_384, %dma_start3A_385] : memref<1000000x64xf32, #tpu.memory_space<hbm>> -> memref<1000000x64xf32, #tpu.memory_space<hbm>>
        tpu.enqueue_indirect_dma source(%dma_start3A_386 : memref<1000000x64xf32, #tpu.memory_space<hbm>>) target(%dma_start3A_382 : memref<128x64xf32, #tpu.memory_space<vmem>>) offsets(%dma_start3A_383 : memref<128xi32, #tpu.memory_space<vmem>>) semaphore(%arg8 : memref<!tpu.dma_semaphore, #tpu.memory_space<semaphore_mem>>)
        %dma_start3A_387 = arith.constant 1 : i32
        %dma_start3A_388 = arith.constant 0 : i32
        %dma_start3A_389 = arith.constant 0 : i32
        %dma_start3A_390 = tpu.memref_slice %arg6[%dma_start3A_387, %dma_start3A_388, %dma_start3A_389] : memref<2x640x64xf32, #tpu.memory_space<vmem>> -> memref<1x640x64xf32, #tpu.memory_space<vmem>>
        %dma_start3A_391 = tpu.memref_squeeze %dma_start3A_390 : memref<1x640x64xf32, #tpu.memory_space<vmem>> -> memref<640x64xf32, #tpu.memory_space<vmem>>
        %dma_start3A_392 = arith.constant 512 : i32
        %dma_start3A_393 = arith.constant 0 : i32
        %dma_start3A_394 = tpu.memref_slice %dma_start3A_391[%dma_start3A_392, %dma_start3A_393] : memref<640x64xf32, #tpu.memory_space<vmem>> -> memref<128x64xf32, #tpu.memory_space<vmem>>
        %dma_start3A_395 = tpu.memref_slice %arg5[%add3A_338] : memref<25600xi32, #tpu.memory_space<vmem>> -> memref<128xi32, #tpu.memory_space<vmem>>
        %dma_start3A_396 = arith.constant 0 : i32
        %dma_start3A_397 = arith.constant 0 : i32
        %dma_start3A_398 = tpu.memref_slice %arg2[%dma_start3A_396, %dma_start3A_397] : memref<1000000x64xf32, #tpu.memory_space<hbm>> -> memref<1000000x64xf32, #tpu.memory_space<hbm>>
        tpu.enqueue_indirect_dma source(%dma_start3A_398 : memref<1000000x64xf32, #tpu.memory_space<hbm>>) target(%dma_start3A_394 : memref<128x64xf32, #tpu.memory_space<vmem>>) offsets(%dma_start3A_395 : memref<128xi32, #tpu.memory_space<vmem>>) semaphore(%arg8 : memref<!tpu.dma_semaphore, #tpu.memory_space<semaphore_mem>>)
      } else {
      }
      %mul3A_110 = arith.constant 640 : i32
      %mul3A_111 = arith.muli %add3A_105, %mul3A_110 : i32
      %add3A_112 = arith.constant 0 : i32
      %add3A_113 = arith.addi %mul3A_111, %add3A_112 : i32
      %mul3A_114 = arith.constant 640 : i32
      %mul3A_115 = arith.muli %add3A_105, %mul3A_114 : i32
      %add3A_116 = arith.constant 128 : i32
      %add3A_117 = arith.addi %mul3A_115, %add3A_116 : i32
      %mul3A_118 = arith.constant 640 : i32
      %mul3A_119 = arith.muli %add3A_105, %mul3A_118 : i32
      %add3A_120 = arith.constant 256 : i32
      %add3A_121 = arith.addi %mul3A_119, %add3A_120 : i32
      %mul3A_122 = arith.constant 640 : i32
      %mul3A_123 = arith.muli %add3A_105, %mul3A_122 : i32
      %add3A_124 = arith.constant 384 : i32
      %add3A_125 = arith.addi %mul3A_123, %add3A_124 : i32
      %mul3A_126 = arith.constant 640 : i32
      %mul3A_127 = arith.muli %add3A_105, %mul3A_126 : i32
      %add3A_128 = arith.constant 512 : i32
      %add3A_129 = arith.addi %mul3A_127, %add3A_128 : i32
      %dma_wait3A_130 = arith.constant 0 : i32
      %dma_wait3A_131 = arith.constant 0 : i32
      %dma_wait3A_132 = arith.constant 0 : i32
      %dma_wait3A_133 = tpu.memref_slice %arg6[%dma_wait3A_130, %dma_wait3A_131, %dma_wait3A_132] : memref<2x640x64xf32, #tpu.memory_space<vmem>> -> memref<1x640x64xf32, #tpu.memory_space<vmem>>
      %dma_wait3A_134 = tpu.memref_squeeze %dma_wait3A_133 : memref<1x640x64xf32, #tpu.memory_space<vmem>> -> memref<640x64xf32, #tpu.memory_space<vmem>>
      %dma_wait3A_135 = arith.constant 0 : i32
      %dma_wait3A_136 = arith.constant 0 : i32
      %dma_wait3A_137 = tpu.memref_slice %dma_wait3A_134[%dma_wait3A_135, %dma_wait3A_136] : memref<640x64xf32, #tpu.memory_space<vmem>> -> memref<128x64xf32, #tpu.memory_space<vmem>>
      %dma_wait3A_138 = tpu.memref_slice %arg5[%add3A_113] : memref<25600xi32, #tpu.memory_space<vmem>> -> memref<128xi32, #tpu.memory_space<vmem>>
      %dma_wait3A_139 = arith.constant 0 : i32
      %dma_wait3A_140 = arith.constant 0 : i32
      %dma_wait3A_141 = tpu.memref_slice %arg2[%dma_wait3A_139, %dma_wait3A_140] : memref<1000000x64xf32, #tpu.memory_space<hbm>> -> memref<1000000x64xf32, #tpu.memory_space<hbm>>
      tpu.wait_indirect_dma semaphore(%arg7 : memref<!tpu.dma_semaphore, #tpu.memory_space<semaphore_mem>>) src(%dma_wait3A_141 : memref<1000000x64xf32, #tpu.memory_space<hbm>>) dst(%dma_wait3A_137 : memref<128x64xf32, #tpu.memory_space<vmem>>)
      %dma_wait3A_142 = arith.constant 0 : i32
      %dma_wait3A_143 = arith.constant 0 : i32
      %dma_wait3A_144 = arith.constant 0 : i32
      %dma_wait3A_145 = tpu.memref_slice %arg6[%dma_wait3A_142, %dma_wait3A_143, %dma_wait3A_144] : memref<2x640x64xf32, #tpu.memory_space<vmem>> -> memref<1x640x64xf32, #tpu.memory_space<vmem>>
      %dma_wait3A_146 = tpu.memref_squeeze %dma_wait3A_145 : memref<1x640x64xf32, #tpu.memory_space<vmem>> -> memref<640x64xf32, #tpu.memory_space<vmem>>
      %dma_wait3A_147 = arith.constant 128 : i32
      %dma_wait3A_148 = arith.constant 0 : i32
      %dma_wait3A_149 = tpu.memref_slice %dma_wait3A_146[%dma_wait3A_147, %dma_wait3A_148] : memref<640x64xf32, #tpu.memory_space<vmem>> -> memref<128x64xf32, #tpu.memory_space<vmem>>
      %dma_wait3A_150 = tpu.memref_slice %arg5[%add3A_117] : memref<25600xi32, #tpu.memory_space<vmem>> -> memref<128xi32, #tpu.memory_space<vmem>>
      %dma_wait3A_151 = arith.constant 0 : i32
      %dma_wait3A_152 = arith.constant 0 : i32
      %dma_wait3A_153 = tpu.memref_slice %arg2[%dma_wait3A_151, %dma_wait3A_152] : memref<1000000x64xf32, #tpu.memory_space<hbm>> -> memref<1000000x64xf32, #tpu.memory_space<hbm>>
      tpu.wait_indirect_dma semaphore(%arg7 : memref<!tpu.dma_semaphore, #tpu.memory_space<semaphore_mem>>) src(%dma_wait3A_153 : memref<1000000x64xf32, #tpu.memory_space<hbm>>) dst(%dma_wait3A_149 : memref<128x64xf32, #tpu.memory_space<vmem>>)
      %dma_wait3A_154 = arith.constant 0 : i32
      %dma_wait3A_155 = arith.constant 0 : i32
      %dma_wait3A_156 = arith.constant 0 : i32
      %dma_wait3A_157 = tpu.memref_slice %arg6[%dma_wait3A_154, %dma_wait3A_155, %dma_wait3A_156] : memref<2x640x64xf32, #tpu.memory_space<vmem>> -> memref<1x640x64xf32, #tpu.memory_space<vmem>>
      %dma_wait3A_158 = tpu.memref_squeeze %dma_wait3A_157 : memref<1x640x64xf32, #tpu.memory_space<vmem>> -> memref<640x64xf32, #tpu.memory_space<vmem>>
      %dma_wait3A_159 = arith.constant 256 : i32
      %dma_wait3A_160 = arith.constant 0 : i32
      %dma_wait3A_161 = tpu.memref_slice %dma_wait3A_158[%dma_wait3A_159, %dma_wait3A_160] : memref<640x64xf32, #tpu.memory_space<vmem>> -> memref<128x64xf32, #tpu.memory_space<vmem>>
      %dma_wait3A_162 = tpu.memref_slice %arg5[%add3A_121] : memref<25600xi32, #tpu.memory_space<vmem>> -> memref<128xi32, #tpu.memory_space<vmem>>
      %dma_wait3A_163 = arith.constant 0 : i32
      %dma_wait3A_164 = arith.constant 0 : i32
      %dma_wait3A_165 = tpu.memref_slice %arg2[%dma_wait3A_163, %dma_wait3A_164] : memref<1000000x64xf32, #tpu.memory_space<hbm>> -> memref<1000000x64xf32, #tpu.memory_space<hbm>>
      tpu.wait_indirect_dma semaphore(%arg7 : memref<!tpu.dma_semaphore, #tpu.memory_space<semaphore_mem>>) src(%dma_wait3A_165 : memref<1000000x64xf32, #tpu.memory_space<hbm>>) dst(%dma_wait3A_161 : memref<128x64xf32, #tpu.memory_space<vmem>>)
      %dma_wait3A_166 = arith.constant 0 : i32
      %dma_wait3A_167 = arith.constant 0 : i32
      %dma_wait3A_168 = arith.constant 0 : i32
      %dma_wait3A_169 = tpu.memref_slice %arg6[%dma_wait3A_166, %dma_wait3A_167, %dma_wait3A_168] : memref<2x640x64xf32, #tpu.memory_space<vmem>> -> memref<1x640x64xf32, #tpu.memory_space<vmem>>
      %dma_wait3A_170 = tpu.memref_squeeze %dma_wait3A_169 : memref<1x640x64xf32, #tpu.memory_space<vmem>> -> memref<640x64xf32, #tpu.memory_space<vmem>>
      %dma_wait3A_171 = arith.constant 384 : i32
      %dma_wait3A_172 = arith.constant 0 : i32
      %dma_wait3A_173 = tpu.memref_slice %dma_wait3A_170[%dma_wait3A_171, %dma_wait3A_172] : memref<640x64xf32, #tpu.memory_space<vmem>> -> memref<128x64xf32, #tpu.memory_space<vmem>>
      %dma_wait3A_174 = tpu.memref_slice %arg5[%add3A_125] : memref<25600xi32, #tpu.memory_space<vmem>> -> memref<128xi32, #tpu.memory_space<vmem>>
      %dma_wait3A_175 = arith.constant 0 : i32
      %dma_wait3A_176 = arith.constant 0 : i32
      %dma_wait3A_177 = tpu.memref_slice %arg2[%dma_wait3A_175, %dma_wait3A_176] : memref<1000000x64xf32, #tpu.memory_space<hbm>> -> memref<1000000x64xf32, #tpu.memory_space<hbm>>
      tpu.wait_indirect_dma semaphore(%arg7 : memref<!tpu.dma_semaphore, #tpu.memory_space<semaphore_mem>>) src(%dma_wait3A_177 : memref<1000000x64xf32, #tpu.memory_space<hbm>>) dst(%dma_wait3A_173 : memref<128x64xf32, #tpu.memory_space<vmem>>)
      %dma_wait3A_178 = arith.constant 0 : i32
      %dma_wait3A_179 = arith.constant 0 : i32
      %dma_wait3A_180 = arith.constant 0 : i32
      %dma_wait3A_181 = tpu.memref_slice %arg6[%dma_wait3A_178, %dma_wait3A_179, %dma_wait3A_180] : memref<2x640x64xf32, #tpu.memory_space<vmem>> -> memref<1x640x64xf32, #tpu.memory_space<vmem>>
      %dma_wait3A_182 = tpu.memref_squeeze %dma_wait3A_181 : memref<1x640x64xf32, #tpu.memory_space<vmem>> -> memref<640x64xf32, #tpu.memory_space<vmem>>
      %dma_wait3A_183 = arith.constant 512 : i32
      %dma_wait3A_184 = arith.constant 0 : i32
      %dma_wait3A_185 = tpu.memref_slice %dma_wait3A_182[%dma_wait3A_183, %dma_wait3A_184] : memref<640x64xf32, #tpu.memory_space<vmem>> -> memref<128x64xf32, #tpu.memory_space<vmem>>
      %dma_wait3A_186 = tpu.memref_slice %arg5[%add3A_129] : memref<25600xi32, #tpu.memory_space<vmem>> -> memref<128xi32, #tpu.memory_space<vmem>>
      %dma_wait3A_187 = arith.constant 0 : i32
      %dma_wait3A_188 = arith.constant 0 : i32
      %dma_wait3A_189 = tpu.memref_slice %arg2[%dma_wait3A_187, %dma_wait3A_188] : memref<1000000x64xf32, #tpu.memory_space<hbm>> -> memref<1000000x64xf32, #tpu.memory_space<hbm>>
      tpu.wait_indirect_dma semaphore(%arg7 : memref<!tpu.dma_semaphore, #tpu.memory_space<semaphore_mem>>) src(%dma_wait3A_189 : memref<1000000x64xf32, #tpu.memory_space<hbm>>) dst(%dma_wait3A_185 : memref<128x64xf32, #tpu.memory_space<vmem>>)
      %mul3A_190 = arith.constant 640 : i32
      %mul3A_191 = arith.muli %add3A_105, %mul3A_190 : i32
      %add3A_192 = arith.addi %mul3A_2, %mul3A_191 : i32
      %dma_start3A_193 = arith.constant 0 : i32
      %dma_start3A_194 = arith.constant 0 : i32
      %dma_start3A_195 = arith.constant 0 : i32
      %dma_start3A_196 = tpu.memref_slice %arg6[%dma_start3A_193, %dma_start3A_194, %dma_start3A_195] : memref<2x640x64xf32, #tpu.memory_space<vmem>> -> memref<1x640x64xf32, #tpu.memory_space<vmem>>
      %dma_start3A_197 = tpu.memref_squeeze %dma_start3A_196 : memref<1x640x64xf32, #tpu.memory_space<vmem>> -> memref<640x64xf32, #tpu.memory_space<vmem>>
      %dma_start3A_198 = arith.constant 0 : i32
      %dma_start3A_199 = tpu.memref_slice %arg4[%add3A_192, %dma_start3A_198] : memref<819200x64xf32, #tpu.memory_space<hbm>> -> memref<640x64xf32, #tpu.memory_space<hbm>>
      %dma_start3A_200 = arith.constant 0 : i32
      %dma_start3A_201 = tpu.memref_slice %arg4[%add3A_192, %dma_start3A_200] : memref<819200x64xf32, #tpu.memory_space<hbm>> -> memref<640x64xf32, #tpu.memory_space<hbm>>
      %dma_start3A_202 = arith.constant 0 : i32
      %dma_start3A_203 = arith.constant 0 : i32
      %dma_start3A_204 = tpu.memref_slice %arg6[%dma_start3A_193, %dma_start3A_202, %dma_start3A_203] : memref<2x640x64xf32, #tpu.memory_space<vmem>> -> memref<1x640x64xf32, #tpu.memory_space<vmem>>
      %dma_start3A_205 = tpu.memref_squeeze %dma_start3A_204 : memref<1x640x64xf32, #tpu.memory_space<vmem>> -> memref<640x64xf32, #tpu.memory_space<vmem>>
      tpu.enqueue_dma source(%dma_start3A_205 : memref<640x64xf32, #tpu.memory_space<vmem>>) target(%dma_start3A_201 : memref<640x64xf32, #tpu.memory_space<hbm>>) target_semaphore(%arg9 : memref<!tpu.dma_semaphore, #tpu.memory_space<semaphore_mem>>)
      %mul3A_206 = arith.constant 2 : i32
      %mul3A_207 = arith.muli %mul3A_206, %scan3A_101 : i32
      %add3A_208 = arith.constant 1 : i32
      %add3A_209 = arith.addi %mul3A_207, %add3A_208 : i32
      %add3A_210 = arith.constant 1 : i32
      %add3A_211 = arith.addi %add3A_209, %add3A_210 : i32
      %lt3A_212 = arith.constant 40 : i32
      %lt3A_213 = arith.cmpi slt, %add3A_211, %lt3A_212 : i32
      %convert_element_type3A_214 = arith.extui %lt3A_213 : i1 to i32
      %cond3A_215 = arith.constant 0 : i32
      %cond3A_216 = arith.cmpi ne, %convert_element_type3A_214, %cond3A_215 : i32
      scf.if %cond3A_216 {
        %ge3A = arith.constant 1 : i32
        %ge3A_313 = arith.cmpi sge, %add3A_209, %ge3A : i32
        %convert_element_type3A_314 = arith.extui %ge3A_313 : i1 to i32
        %cond3A_315 = arith.constant 0 : i32
        %cond3A_316 = arith.cmpi ne, %convert_element_type3A_314, %cond3A_315 : i32
        scf.if %cond3A_316 {
          %sub3A = arith.constant 1 : i32
          %sub3A_399 = arith.subi %add3A_209, %sub3A : i32
          %mul3A_400 = arith.constant 640 : i32
          %mul3A_401 = arith.muli %sub3A_399, %mul3A_400 : i32
          %add3A_402 = arith.addi %mul3A_2, %mul3A_401 : i32
          %dma_wait3A_403 = arith.constant 0 : i32
          %dma_wait3A_404 = arith.constant 0 : i32
          %dma_wait3A_405 = arith.constant 0 : i32
          %dma_wait3A_406 = tpu.memref_slice %arg6[%dma_wait3A_403, %dma_wait3A_404, %dma_wait3A_405] : memref<2x640x64xf32, #tpu.memory_space<vmem>> -> memref<1x640x64xf32, #tpu.memory_space<vmem>>
          %dma_wait3A_407 = tpu.memref_squeeze %dma_wait3A_406 : memref<1x640x64xf32, #tpu.memory_space<vmem>> -> memref<640x64xf32, #tpu.memory_space<vmem>>
          %dma_wait3A_408 = arith.constant 0 : i32
          %dma_wait3A_409 = tpu.memref_slice %arg4[%add3A_402, %dma_wait3A_408] : memref<819200x64xf32, #tpu.memory_space<hbm>> -> memref<640x64xf32, #tpu.memory_space<hbm>>
          %dma_wait3A_410 = arith.constant 0 : i32
          %dma_wait3A_411 = tpu.memref_slice %arg4[%add3A_402, %dma_wait3A_410] : memref<819200x64xf32, #tpu.memory_space<hbm>> -> memref<640x64xf32, #tpu.memory_space<hbm>>
          %dma_wait3A_412 = arith.constant 0 : i32
          %dma_wait3A_413 = arith.constant 0 : i32
          %dma_wait3A_414 = tpu.memref_slice %arg6[%dma_wait3A_403, %dma_wait3A_412, %dma_wait3A_413] : memref<2x640x64xf32, #tpu.memory_space<vmem>> -> memref<1x640x64xf32, #tpu.memory_space<vmem>>
          %dma_wait3A_415 = tpu.memref_squeeze %dma_wait3A_414 : memref<1x640x64xf32, #tpu.memory_space<vmem>> -> memref<640x64xf32, #tpu.memory_space<vmem>>
          tpu.wait_dma2 semaphore(%arg9 : memref<!tpu.dma_semaphore, #tpu.memory_space<semaphore_mem>>) src(%dma_wait3A_415 : memref<640x64xf32, #tpu.memory_space<vmem>>) dst(%dma_wait3A_411 : memref<640x64xf32, #tpu.memory_space<hbm>>)
        } else {
        }
        %add3A_317 = arith.constant 1 : i32
        %add3A_318 = arith.addi %add3A_209, %add3A_317 : i32
        %mul3A_319 = arith.constant 640 : i32
        %mul3A_320 = arith.muli %add3A_318, %mul3A_319 : i32
        %add3A_321 = arith.constant 0 : i32
        %add3A_322 = arith.addi %mul3A_320, %add3A_321 : i32
        %mul3A_323 = arith.constant 640 : i32
        %mul3A_324 = arith.muli %add3A_318, %mul3A_323 : i32
        %add3A_325 = arith.constant 128 : i32
        %add3A_326 = arith.addi %mul3A_324, %add3A_325 : i32
        %mul3A_327 = arith.constant 640 : i32
        %mul3A_328 = arith.muli %add3A_318, %mul3A_327 : i32
        %add3A_329 = arith.constant 256 : i32
        %add3A_330 = arith.addi %mul3A_328, %add3A_329 : i32
        %mul3A_331 = arith.constant 640 : i32
        %mul3A_332 = arith.muli %add3A_318, %mul3A_331 : i32
        %add3A_333 = arith.constant 384 : i32
        %add3A_334 = arith.addi %mul3A_332, %add3A_333 : i32
        %mul3A_335 = arith.constant 640 : i32
        %mul3A_336 = arith.muli %add3A_318, %mul3A_335 : i32
        %add3A_337 = arith.constant 512 : i32
        %add3A_338 = arith.addi %mul3A_336, %add3A_337 : i32
        %dma_start3A_339 = arith.constant 0 : i32
        %dma_start3A_340 = arith.constant 0 : i32
        %dma_start3A_341 = arith.constant 0 : i32
        %dma_start3A_342 = tpu.memref_slice %arg6[%dma_start3A_339, %dma_start3A_340, %dma_start3A_341] : memref<2x640x64xf32, #tpu.memory_space<vmem>> -> memref<1x640x64xf32, #tpu.memory_space<vmem>>
        %dma_start3A_343 = tpu.memref_squeeze %dma_start3A_342 : memref<1x640x64xf32, #tpu.memory_space<vmem>> -> memref<640x64xf32, #tpu.memory_space<vmem>>
        %dma_start3A_344 = arith.constant 0 : i32
        %dma_start3A_345 = arith.constant 0 : i32
        %dma_start3A_346 = tpu.memref_slice %dma_start3A_343[%dma_start3A_344, %dma_start3A_345] : memref<640x64xf32, #tpu.memory_space<vmem>> -> memref<128x64xf32, #tpu.memory_space<vmem>>
        %dma_start3A_347 = tpu.memref_slice %arg5[%add3A_322] : memref<25600xi32, #tpu.memory_space<vmem>> -> memref<128xi32, #tpu.memory_space<vmem>>
        %dma_start3A_348 = arith.constant 0 : i32
        %dma_start3A_349 = arith.constant 0 : i32
        %dma_start3A_350 = tpu.memref_slice %arg2[%dma_start3A_348, %dma_start3A_349] : memref<1000000x64xf32, #tpu.memory_space<hbm>> -> memref<1000000x64xf32, #tpu.memory_space<hbm>>
        tpu.enqueue_indirect_dma source(%dma_start3A_350 : memref<1000000x64xf32, #tpu.memory_space<hbm>>) target(%dma_start3A_346 : memref<128x64xf32, #tpu.memory_space<vmem>>) offsets(%dma_start3A_347 : memref<128xi32, #tpu.memory_space<vmem>>) semaphore(%arg7 : memref<!tpu.dma_semaphore, #tpu.memory_space<semaphore_mem>>)
        %dma_start3A_351 = arith.constant 0 : i32
        %dma_start3A_352 = arith.constant 0 : i32
        %dma_start3A_353 = arith.constant 0 : i32
        %dma_start3A_354 = tpu.memref_slice %arg6[%dma_start3A_351, %dma_start3A_352, %dma_start3A_353] : memref<2x640x64xf32, #tpu.memory_space<vmem>> -> memref<1x640x64xf32, #tpu.memory_space<vmem>>
        %dma_start3A_355 = tpu.memref_squeeze %dma_start3A_354 : memref<1x640x64xf32, #tpu.memory_space<vmem>> -> memref<640x64xf32, #tpu.memory_space<vmem>>
        %dma_start3A_356 = arith.constant 128 : i32
        %dma_start3A_357 = arith.constant 0 : i32
        %dma_start3A_358 = tpu.memref_slice %dma_start3A_355[%dma_start3A_356, %dma_start3A_357] : memref<640x64xf32, #tpu.memory_space<vmem>> -> memref<128x64xf32, #tpu.memory_space<vmem>>
        %dma_start3A_359 = tpu.memref_slice %arg5[%add3A_326] : memref<25600xi32, #tpu.memory_space<vmem>> -> memref<128xi32, #tpu.memory_space<vmem>>
        %dma_start3A_360 = arith.constant 0 : i32
        %dma_start3A_361 = arith.constant 0 : i32
        %dma_start3A_362 = tpu.memref_slice %arg2[%dma_start3A_360, %dma_start3A_361] : memref<1000000x64xf32, #tpu.memory_space<hbm>> -> memref<1000000x64xf32, #tpu.memory_space<hbm>>
        tpu.enqueue_indirect_dma source(%dma_start3A_362 : memref<1000000x64xf32, #tpu.memory_space<hbm>>) target(%dma_start3A_358 : memref<128x64xf32, #tpu.memory_space<vmem>>) offsets(%dma_start3A_359 : memref<128xi32, #tpu.memory_space<vmem>>) semaphore(%arg7 : memref<!tpu.dma_semaphore, #tpu.memory_space<semaphore_mem>>)
        %dma_start3A_363 = arith.constant 0 : i32
        %dma_start3A_364 = arith.constant 0 : i32
        %dma_start3A_365 = arith.constant 0 : i32
        %dma_start3A_366 = tpu.memref_slice %arg6[%dma_start3A_363, %dma_start3A_364, %dma_start3A_365] : memref<2x640x64xf32, #tpu.memory_space<vmem>> -> memref<1x640x64xf32, #tpu.memory_space<vmem>>
        %dma_start3A_367 = tpu.memref_squeeze %dma_start3A_366 : memref<1x640x64xf32, #tpu.memory_space<vmem>> -> memref<640x64xf32, #tpu.memory_space<vmem>>
        %dma_start3A_368 = arith.constant 256 : i32
        %dma_start3A_369 = arith.constant 0 : i32
        %dma_start3A_370 = tpu.memref_slice %dma_start3A_367[%dma_start3A_368, %dma_start3A_369] : memref<640x64xf32, #tpu.memory_space<vmem>> -> memref<128x64xf32, #tpu.memory_space<vmem>>
        %dma_start3A_371 = tpu.memref_slice %arg5[%add3A_330] : memref<25600xi32, #tpu.memory_space<vmem>> -> memref<128xi32, #tpu.memory_space<vmem>>
        %dma_start3A_372 = arith.constant 0 : i32
        %dma_start3A_373 = arith.constant 0 : i32
        %dma_start3A_374 = tpu.memref_slice %arg2[%dma_start3A_372, %dma_start3A_373] : memref<1000000x64xf32, #tpu.memory_space<hbm>> -> memref<1000000x64xf32, #tpu.memory_space<hbm>>
        tpu.enqueue_indirect_dma source(%dma_start3A_374 : memref<1000000x64xf32, #tpu.memory_space<hbm>>) target(%dma_start3A_370 : memref<128x64xf32, #tpu.memory_space<vmem>>) offsets(%dma_start3A_371 : memref<128xi32, #tpu.memory_space<vmem>>) semaphore(%arg7 : memref<!tpu.dma_semaphore, #tpu.memory_space<semaphore_mem>>)
        %dma_start3A_375 = arith.constant 0 : i32
        %dma_start3A_376 = arith.constant 0 : i32
        %dma_start3A_377 = arith.constant 0 : i32
        %dma_start3A_378 = tpu.memref_slice %arg6[%dma_start3A_375, %dma_start3A_376, %dma_start3A_377] : memref<2x640x64xf32, #tpu.memory_space<vmem>> -> memref<1x640x64xf32, #tpu.memory_space<vmem>>
        %dma_start3A_379 = tpu.memref_squeeze %dma_start3A_378 : memref<1x640x64xf32, #tpu.memory_space<vmem>> -> memref<640x64xf32, #tpu.memory_space<vmem>>
        %dma_start3A_380 = arith.constant 384 : i32
        %dma_start3A_381 = arith.constant 0 : i32
        %dma_start3A_382 = tpu.memref_slice %dma_start3A_379[%dma_start3A_380, %dma_start3A_381] : memref<640x64xf32, #tpu.memory_space<vmem>> -> memref<128x64xf32, #tpu.memory_space<vmem>>
        %dma_start3A_383 = tpu.memref_slice %arg5[%add3A_334] : memref<25600xi32, #tpu.memory_space<vmem>> -> memref<128xi32, #tpu.memory_space<vmem>>
        %dma_start3A_384 = arith.constant 0 : i32
        %dma_start3A_385 = arith.constant 0 : i32
        %dma_start3A_386 = tpu.memref_slice %arg2[%dma_start3A_384, %dma_start3A_385] : memref<1000000x64xf32, #tpu.memory_space<hbm>> -> memref<1000000x64xf32, #tpu.memory_space<hbm>>
        tpu.enqueue_indirect_dma source(%dma_start3A_386 : memref<1000000x64xf32, #tpu.memory_space<hbm>>) target(%dma_start3A_382 : memref<128x64xf32, #tpu.memory_space<vmem>>) offsets(%dma_start3A_383 : memref<128xi32, #tpu.memory_space<vmem>>) semaphore(%arg7 : memref<!tpu.dma_semaphore, #tpu.memory_space<semaphore_mem>>)
        %dma_start3A_387 = arith.constant 0 : i32
        %dma_start3A_388 = arith.constant 0 : i32
        %dma_start3A_389 = arith.constant 0 : i32
        %dma_start3A_390 = tpu.memref_slice %arg6[%dma_start3A_387, %dma_start3A_388, %dma_start3A_389] : memref<2x640x64xf32, #tpu.memory_space<vmem>> -> memref<1x640x64xf32, #tpu.memory_space<vmem>>
        %dma_start3A_391 = tpu.memref_squeeze %dma_start3A_390 : memref<1x640x64xf32, #tpu.memory_space<vmem>> -> memref<640x64xf32, #tpu.memory_space<vmem>>
        %dma_start3A_392 = arith.constant 512 : i32
        %dma_start3A_393 = arith.constant 0 : i32
        %dma_start3A_394 = tpu.memref_slice %dma_start3A_391[%dma_start3A_392, %dma_start3A_393] : memref<640x64xf32, #tpu.memory_space<vmem>> -> memref<128x64xf32, #tpu.memory_space<vmem>>
        %dma_start3A_395 = tpu.memref_slice %arg5[%add3A_338] : memref<25600xi32, #tpu.memory_space<vmem>> -> memref<128xi32, #tpu.memory_space<vmem>>
        %dma_start3A_396 = arith.constant 0 : i32
        %dma_start3A_397 = arith.constant 0 : i32
        %dma_start3A_398 = tpu.memref_slice %arg2[%dma_start3A_396, %dma_start3A_397] : memref<1000000x64xf32, #tpu.memory_space<hbm>> -> memref<1000000x64xf32, #tpu.memory_space<hbm>>
        tpu.enqueue_indirect_dma source(%dma_start3A_398 : memref<1000000x64xf32, #tpu.memory_space<hbm>>) target(%dma_start3A_394 : memref<128x64xf32, #tpu.memory_space<vmem>>) offsets(%dma_start3A_395 : memref<128xi32, #tpu.memory_space<vmem>>) semaphore(%arg7 : memref<!tpu.dma_semaphore, #tpu.memory_space<semaphore_mem>>)
      } else {
      }
      %mul3A_217 = arith.constant 640 : i32
      %mul3A_218 = arith.muli %add3A_209, %mul3A_217 : i32
      %add3A_219 = arith.constant 0 : i32
      %add3A_220 = arith.addi %mul3A_218, %add3A_219 : i32
      %mul3A_221 = arith.constant 640 : i32
      %mul3A_222 = arith.muli %add3A_209, %mul3A_221 : i32
      %add3A_223 = arith.constant 128 : i32
      %add3A_224 = arith.addi %mul3A_222, %add3A_223 : i32
      %mul3A_225 = arith.constant 640 : i32
      %mul3A_226 = arith.muli %add3A_209, %mul3A_225 : i32
      %add3A_227 = arith.constant 256 : i32
      %add3A_228 = arith.addi %mul3A_226, %add3A_227 : i32
      %mul3A_229 = arith.constant 640 : i32
      %mul3A_230 = arith.muli %add3A_209, %mul3A_229 : i32
      %add3A_231 = arith.constant 384 : i32
      %add3A_232 = arith.addi %mul3A_230, %add3A_231 : i32
      %mul3A_233 = arith.constant 640 : i32
      %mul3A_234 = arith.muli %add3A_209, %mul3A_233 : i32
      %add3A_235 = arith.constant 512 : i32
      %add3A_236 = arith.addi %mul3A_234, %add3A_235 : i32
      %dma_wait3A_237 = arith.constant 1 : i32
      %dma_wait3A_238 = arith.constant 0 : i32
      %dma_wait3A_239 = arith.constant 0 : i32
      %dma_wait3A_240 = tpu.memref_slice %arg6[%dma_wait3A_237, %dma_wait3A_238, %dma_wait3A_239] : memref<2x640x64xf32, #tpu.memory_space<vmem>> -> memref<1x640x64xf32, #tpu.memory_space<vmem>>
      %dma_wait3A_241 = tpu.memref_squeeze %dma_wait3A_240 : memref<1x640x64xf32, #tpu.memory_space<vmem>> -> memref<640x64xf32, #tpu.memory_space<vmem>>
      %dma_wait3A_242 = arith.constant 0 : i32
      %dma_wait3A_243 = arith.constant 0 : i32
      %dma_wait3A_244 = tpu.memref_slice %dma_wait3A_241[%dma_wait3A_242, %dma_wait3A_243] : memref<640x64xf32, #tpu.memory_space<vmem>> -> memref<128x64xf32, #tpu.memory_space<vmem>>
      %dma_wait3A_245 = tpu.memref_slice %arg5[%add3A_220] : memref<25600xi32, #tpu.memory_space<vmem>> -> memref<128xi32, #tpu.memory_space<vmem>>
      %dma_wait3A_246 = arith.constant 0 : i32
      %dma_wait3A_247 = arith.constant 0 : i32
      %dma_wait3A_248 = tpu.memref_slice %arg2[%dma_wait3A_246, %dma_wait3A_247] : memref<1000000x64xf32, #tpu.memory_space<hbm>> -> memref<1000000x64xf32, #tpu.memory_space<hbm>>
      tpu.wait_indirect_dma semaphore(%arg8 : memref<!tpu.dma_semaphore, #tpu.memory_space<semaphore_mem>>) src(%dma_wait3A_248 : memref<1000000x64xf32, #tpu.memory_space<hbm>>) dst(%dma_wait3A_244 : memref<128x64xf32, #tpu.memory_space<vmem>>)
      %dma_wait3A_249 = arith.constant 1 : i32
      %dma_wait3A_250 = arith.constant 0 : i32
      %dma_wait3A_251 = arith.constant 0 : i32
      %dma_wait3A_252 = tpu.memref_slice %arg6[%dma_wait3A_249, %dma_wait3A_250, %dma_wait3A_251] : memref<2x640x64xf32, #tpu.memory_space<vmem>> -> memref<1x640x64xf32, #tpu.memory_space<vmem>>
      %dma_wait3A_253 = tpu.memref_squeeze %dma_wait3A_252 : memref<1x640x64xf32, #tpu.memory_space<vmem>> -> memref<640x64xf32, #tpu.memory_space<vmem>>
      %dma_wait3A_254 = arith.constant 128 : i32
      %dma_wait3A_255 = arith.constant 0 : i32
      %dma_wait3A_256 = tpu.memref_slice %dma_wait3A_253[%dma_wait3A_254, %dma_wait3A_255] : memref<640x64xf32, #tpu.memory_space<vmem>> -> memref<128x64xf32, #tpu.memory_space<vmem>>
      %dma_wait3A_257 = tpu.memref_slice %arg5[%add3A_224] : memref<25600xi32, #tpu.memory_space<vmem>> -> memref<128xi32, #tpu.memory_space<vmem>>
      %dma_wait3A_258 = arith.constant 0 : i32
      %dma_wait3A_259 = arith.constant 0 : i32
      %dma_wait3A_260 = tpu.memref_slice %arg2[%dma_wait3A_258, %dma_wait3A_259] : memref<1000000x64xf32, #tpu.memory_space<hbm>> -> memref<1000000x64xf32, #tpu.memory_space<hbm>>
      tpu.wait_indirect_dma semaphore(%arg8 : memref<!tpu.dma_semaphore, #tpu.memory_space<semaphore_mem>>) src(%dma_wait3A_260 : memref<1000000x64xf32, #tpu.memory_space<hbm>>) dst(%dma_wait3A_256 : memref<128x64xf32, #tpu.memory_space<vmem>>)
      %dma_wait3A_261 = arith.constant 1 : i32
      %dma_wait3A_262 = arith.constant 0 : i32
      %dma_wait3A_263 = arith.constant 0 : i32
      %dma_wait3A_264 = tpu.memref_slice %arg6[%dma_wait3A_261, %dma_wait3A_262, %dma_wait3A_263] : memref<2x640x64xf32, #tpu.memory_space<vmem>> -> memref<1x640x64xf32, #tpu.memory_space<vmem>>
      %dma_wait3A_265 = tpu.memref_squeeze %dma_wait3A_264 : memref<1x640x64xf32, #tpu.memory_space<vmem>> -> memref<640x64xf32, #tpu.memory_space<vmem>>
      %dma_wait3A_266 = arith.constant 256 : i32
      %dma_wait3A_267 = arith.constant 0 : i32
      %dma_wait3A_268 = tpu.memref_slice %dma_wait3A_265[%dma_wait3A_266, %dma_wait3A_267] : memref<640x64xf32, #tpu.memory_space<vmem>> -> memref<128x64xf32, #tpu.memory_space<vmem>>
      %dma_wait3A_269 = tpu.memref_slice %arg5[%add3A_228] : memref<25600xi32, #tpu.memory_space<vmem>> -> memref<128xi32, #tpu.memory_space<vmem>>
      %dma_wait3A_270 = arith.constant 0 : i32
      %dma_wait3A_271 = arith.constant 0 : i32
      %dma_wait3A_272 = tpu.memref_slice %arg2[%dma_wait3A_270, %dma_wait3A_271] : memref<1000000x64xf32, #tpu.memory_space<hbm>> -> memref<1000000x64xf32, #tpu.memory_space<hbm>>
      tpu.wait_indirect_dma semaphore(%arg8 : memref<!tpu.dma_semaphore, #tpu.memory_space<semaphore_mem>>) src(%dma_wait3A_272 : memref<1000000x64xf32, #tpu.memory_space<hbm>>) dst(%dma_wait3A_268 : memref<128x64xf32, #tpu.memory_space<vmem>>)
      %dma_wait3A_273 = arith.constant 1 : i32
      %dma_wait3A_274 = arith.constant 0 : i32
      %dma_wait3A_275 = arith.constant 0 : i32
      %dma_wait3A_276 = tpu.memref_slice %arg6[%dma_wait3A_273, %dma_wait3A_274, %dma_wait3A_275] : memref<2x640x64xf32, #tpu.memory_space<vmem>> -> memref<1x640x64xf32, #tpu.memory_space<vmem>>
      %dma_wait3A_277 = tpu.memref_squeeze %dma_wait3A_276 : memref<1x640x64xf32, #tpu.memory_space<vmem>> -> memref<640x64xf32, #tpu.memory_space<vmem>>
      %dma_wait3A_278 = arith.constant 384 : i32
      %dma_wait3A_279 = arith.constant 0 : i32
      %dma_wait3A_280 = tpu.memref_slice %dma_wait3A_277[%dma_wait3A_278, %dma_wait3A_279] : memref<640x64xf32, #tpu.memory_space<vmem>> -> memref<128x64xf32, #tpu.memory_space<vmem>>
      %dma_wait3A_281 = tpu.memref_slice %arg5[%add3A_232] : memref<25600xi32, #tpu.memory_space<vmem>> -> memref<128xi32, #tpu.memory_space<vmem>>
      %dma_wait3A_282 = arith.constant 0 : i32
      %dma_wait3A_283 = arith.constant 0 : i32
      %dma_wait3A_284 = tpu.memref_slice %arg2[%dma_wait3A_282, %dma_wait3A_283] : memref<1000000x64xf32, #tpu.memory_space<hbm>> -> memref<1000000x64xf32, #tpu.memory_space<hbm>>
      tpu.wait_indirect_dma semaphore(%arg8 : memref<!tpu.dma_semaphore, #tpu.memory_space<semaphore_mem>>) src(%dma_wait3A_284 : memref<1000000x64xf32, #tpu.memory_space<hbm>>) dst(%dma_wait3A_280 : memref<128x64xf32, #tpu.memory_space<vmem>>)
      %dma_wait3A_285 = arith.constant 1 : i32
      %dma_wait3A_286 = arith.constant 0 : i32
      %dma_wait3A_287 = arith.constant 0 : i32
      %dma_wait3A_288 = tpu.memref_slice %arg6[%dma_wait3A_285, %dma_wait3A_286, %dma_wait3A_287] : memref<2x640x64xf32, #tpu.memory_space<vmem>> -> memref<1x640x64xf32, #tpu.memory_space<vmem>>
      %dma_wait3A_289 = tpu.memref_squeeze %dma_wait3A_288 : memref<1x640x64xf32, #tpu.memory_space<vmem>> -> memref<640x64xf32, #tpu.memory_space<vmem>>
      %dma_wait3A_290 = arith.constant 512 : i32
      %dma_wait3A_291 = arith.constant 0 : i32
      %dma_wait3A_292 = tpu.memref_slice %dma_wait3A_289[%dma_wait3A_290, %dma_wait3A_291] : memref<640x64xf32, #tpu.memory_space<vmem>> -> memref<128x64xf32, #tpu.memory_space<vmem>>
      %dma_wait3A_293 = tpu.memref_slice %arg5[%add3A_236] : memref<25600xi32, #tpu.memory_space<vmem>> -> memref<128xi32, #tpu.memory_space<vmem>>
      %dma_wait3A_294 = arith.constant 0 : i32
      %dma_wait3A_295 = arith.constant 0 : i32
      %dma_wait3A_296 = tpu.memref_slice %arg2[%dma_wait3A_294, %dma_wait3A_295] : memref<1000000x64xf32, #tpu.memory_space<hbm>> -> memref<1000000x64xf32, #tpu.memory_space<hbm>>
      tpu.wait_indirect_dma semaphore(%arg8 : memref<!tpu.dma_semaphore, #tpu.memory_space<semaphore_mem>>) src(%dma_wait3A_296 : memref<1000000x64xf32, #tpu.memory_space<hbm>>) dst(%dma_wait3A_292 : memref<128x64xf32, #tpu.memory_space<vmem>>)
      %mul3A_297 = arith.constant 640 : i32
      %mul3A_298 = arith.muli %add3A_209, %mul3A_297 : i32
      %add3A_299 = arith.addi %mul3A_2, %mul3A_298 : i32
      %dma_start3A_300 = arith.constant 1 : i32
      %dma_start3A_301 = arith.constant 0 : i32
      %dma_start3A_302 = arith.constant 0 : i32
      %dma_start3A_303 = tpu.memref_slice %arg6[%dma_start3A_300, %dma_start3A_301, %dma_start3A_302] : memref<2x640x64xf32, #tpu.memory_space<vmem>> -> memref<1x640x64xf32, #tpu.memory_space<vmem>>
      %dma_start3A_304 = tpu.memref_squeeze %dma_start3A_303 : memref<1x640x64xf32, #tpu.memory_space<vmem>> -> memref<640x64xf32, #tpu.memory_space<vmem>>
      %dma_start3A_305 = arith.constant 0 : i32
      %dma_start3A_306 = tpu.memref_slice %arg4[%add3A_299, %dma_start3A_305] : memref<819200x64xf32, #tpu.memory_space<hbm>> -> memref<640x64xf32, #tpu.memory_space<hbm>>
      %dma_start3A_307 = arith.constant 0 : i32
      %dma_start3A_308 = tpu.memref_slice %arg4[%add3A_299, %dma_start3A_307] : memref<819200x64xf32, #tpu.memory_space<hbm>> -> memref<640x64xf32, #tpu.memory_space<hbm>>
      %dma_start3A_309 = arith.constant 0 : i32
      %dma_start3A_310 = arith.constant 0 : i32
      %dma_start3A_311 = tpu.memref_slice %arg6[%dma_start3A_300, %dma_start3A_309, %dma_start3A_310] : memref<2x640x64xf32, #tpu.memory_space<vmem>> -> memref<1x640x64xf32, #tpu.memory_space<vmem>>
      %dma_start3A_312 = tpu.memref_squeeze %dma_start3A_311 : memref<1x640x64xf32, #tpu.memory_space<vmem>> -> memref<640x64xf32, #tpu.memory_space<vmem>>
      tpu.enqueue_dma source(%dma_start3A_312 : memref<640x64xf32, #tpu.memory_space<vmem>>) target(%dma_start3A_308 : memref<640x64xf32, #tpu.memory_space<hbm>>) target_semaphore(%arg10 : memref<!tpu.dma_semaphore, #tpu.memory_space<semaphore_mem>>)
    }
    %scan3A_71 = arith.constant 20 : i32
    %add3A_72 = arith.constant 24320 : i32
    %add3A_73 = arith.addi %mul3A_2, %add3A_72 : i32
    %dma_wait3A = arith.constant 0 : i32
    %dma_wait3A_74 = arith.constant 0 : i32
    %dma_wait3A_75 = arith.constant 0 : i32
    %dma_wait3A_76 = tpu.memref_slice %arg6[%dma_wait3A, %dma_wait3A_74, %dma_wait3A_75] : memref<2x640x64xf32, #tpu.memory_space<vmem>> -> memref<1x640x64xf32, #tpu.memory_space<vmem>>
    %dma_wait3A_77 = tpu.memref_squeeze %dma_wait3A_76 : memref<1x640x64xf32, #tpu.memory_space<vmem>> -> memref<640x64xf32, #tpu.memory_space<vmem>>
    %dma_wait3A_78 = arith.constant 0 : i32
    %dma_wait3A_79 = tpu.memref_slice %arg4[%add3A_73, %dma_wait3A_78] : memref<819200x64xf32, #tpu.memory_space<hbm>> -> memref<640x64xf32, #tpu.memory_space<hbm>>
    %dma_wait3A_80 = arith.constant 0 : i32
    %dma_wait3A_81 = tpu.memref_slice %arg4[%add3A_73, %dma_wait3A_80] : memref<819200x64xf32, #tpu.memory_space<hbm>> -> memref<640x64xf32, #tpu.memory_space<hbm>>
    %dma_wait3A_82 = arith.constant 0 : i32
    %dma_wait3A_83 = arith.constant 0 : i32
    %dma_wait3A_84 = tpu.memref_slice %arg6[%dma_wait3A, %dma_wait3A_82, %dma_wait3A_83] : memref<2x640x64xf32, #tpu.memory_space<vmem>> -> memref<1x640x64xf32, #tpu.memory_space<vmem>>
    %dma_wait3A_85 = tpu.memref_squeeze %dma_wait3A_84 : memref<1x640x64xf32, #tpu.memory_space<vmem>> -> memref<640x64xf32, #tpu.memory_space<vmem>>
    tpu.wait_dma2 semaphore(%arg9 : memref<!tpu.dma_semaphore, #tpu.memory_space<semaphore_mem>>) src(%dma_wait3A_85 : memref<640x64xf32, #tpu.memory_space<vmem>>) dst(%dma_wait3A_81 : memref<640x64xf32, #tpu.memory_space<hbm>>)
    %add3A_86 = arith.constant 24960 : i32
    %add3A_87 = arith.addi %mul3A_2, %add3A_86 : i32
    %dma_wait3A_88 = arith.constant 1 : i32
    %dma_wait3A_89 = arith.constant 0 : i32
    %dma_wait3A_90 = arith.constant 0 : i32
    %dma_wait3A_91 = tpu.memref_slice %arg6[%dma_wait3A_88, %dma_wait3A_89, %dma_wait3A_90] : memref<2x640x64xf32, #tpu.memory_space<vmem>> -> memref<1x640x64xf32, #tpu.memory_space<vmem>>
    %dma_wait3A_92 = tpu.memref_squeeze %dma_wait3A_91 : memref<1x640x64xf32, #tpu.memory_space<vmem>> -> memref<640x64xf32, #tpu.memory_space<vmem>>
    %dma_wait3A_93 = arith.constant 0 : i32
    %dma_wait3A_94 = tpu.memref_slice %arg4[%add3A_87, %dma_wait3A_93] : memref<819200x64xf32, #tpu.memory_space<hbm>> -> memref<640x64xf32, #tpu.memory_space<hbm>>
    %dma_wait3A_95 = arith.constant 0 : i32
    %dma_wait3A_96 = tpu.memref_slice %arg4[%add3A_87, %dma_wait3A_95] : memref<819200x64xf32, #tpu.memory_space<hbm>> -> memref<640x64xf32, #tpu.memory_space<hbm>>
    %dma_wait3A_97 = arith.constant 0 : i32
    %dma_wait3A_98 = arith.constant 0 : i32
    %dma_wait3A_99 = tpu.memref_slice %arg6[%dma_wait3A_88, %dma_wait3A_97, %dma_wait3A_98] : memref<2x640x64xf32, #tpu.memory_space<vmem>> -> memref<1x640x64xf32, #tpu.memory_space<vmem>>
    %dma_wait3A_100 = tpu.memref_squeeze %dma_wait3A_99 : memref<1x640x64xf32, #tpu.memory_space<vmem>> -> memref<640x64xf32, #tpu.memory_space<vmem>>
    tpu.wait_dma2 semaphore(%arg10 : memref<!tpu.dma_semaphore, #tpu.memory_space<semaphore_mem>>) src(%dma_wait3A_100 : memref<640x64xf32, #tpu.memory_space<vmem>>) dst(%dma_wait3A_96 : memref<640x64xf32, #tpu.memory_space<hbm>>)
    return
  }
}

</mosaic_0001>

<sc_bundles>
// kernel: kernel.3.cloned.1.call-start
scs
__scs_entry_jumppad:
0x0: {  	(pc) =	sbr.rel $0x88, $3  }
0x1: {  	(tag) =	ssettag $0x0;
	lr =	simm.s32 $0x1  }
0x2: {  	[smem:$0x3F9F] =	sst lr;
	_ =	strace $0xD0000000  }
0x3: {  	_ = 	snop  }
0x4: {  	_ = 	snop  }
0x5: {  	_ = 	snop  }
0x6: {  	_ = 	snop  }
0x7: {  	_ = 	snop  }
__scs_overlays_trampoline_lowered:
0x8: {  	[smem:$0x3FAE] =	sst s0  }
0x9: {  	[smem:$0x3FAF] =	sst s1  }
0xa: {  	[smem:$0x3FB0] =	sst s2  }
0xb: {  	[smem:$0x3FB1] =	sst s3  }
0xc: {  	[smem:$0x3FB2] =	sst s4  }
0xd: {  	[smem:$0x3FB3] =	sst s5  }
0xe: {  	[smem:$0x3FB4] =	sst s6  }
0xf: {  	[smem:$0x3FB5] =	sst s7  }
0x10: {  	[smem:$0x3FB6] =	sst s8  }
0x11: {  	[smem:$0x3FB7] =	sst s9;
	s0 =	simm.s32 @!p0 $0x0  }
0x12: {  	s1 =	sld [smem:$0x3F9D];
	s0 =	simm.s32 @p0 $0x1  }
0x13: {  	[smem:$0x3FB8] =	sst s0;
	s0 =	simm.s32 @!p1 $0x0  }
0x14: {  	s2 =	sld [smem:$0x3F9C];
	s0 =	simm.s32 @p1 $0x1  }
0x15: {  	[smem:$0x3FB9] =	sst s0;
	s0 =	simm.s32 @!p2 $0x0  }
0x16: {  	s3 =	sld [smem:$0x3FDB];
	s0 =	simm.s32 @p2 $0x1  }
0x17: {  	s4 =	simm.s32 $0x1BF5;
	[smem:$0x3FBB] =	sst s0  }
0x18: {  	s0 =	sld [smem:$0x3F9E];
	_ =	swait.ge [sflag:s4], $0x0  }
0x19: {  	s7 =	sld [smem:$0x3F9F]  }
0x1a: {  	s8 =	sadd.s32 $0xFFFFE003, lr  }
0x1b: {  	s9 =	sadd.s32 $0xFFFFFEF7, lr;
	s5 =	simm.s32 $0xFFFFFFFF;
	p2 =	slt.u32 s8, $0xFFFFF086  }
0x1c: {  	p1 =	slt.u32 s9, $0xF7A;
	s5 =	simm.s32 @!p2 $0x0  }
0x1d: {  	s5 =	simm.s32 @p1 $0x1;
	p0 =	seq.s32 s7, s2  }
0x1e: {  	s7 =	smul.u32 @!p0 $0xF7A, s2;
	p2 =	seq.s32 @!p0 s5, $0x0  }
0x1f: {  	s9 =	smul.u32 $0xF7A, s1;
	s8 =	simm.s32 @!p0 $0x1BF5;
	p2 =	por !p2, p0  }
0x20: {  	[sflag:s8] =	ssyncset.s32 @!p0 $0xFFFFF086;
	s6 =	sadd.s32 @!p0 s3, s7;
	s7 =	simm.s32 @!p0 $0x108  }
0x21: {  	s3 =	sadd.s32 s3, s9;
	s6 =	sadd.s32 @!p0 $0x88, s6;
	s7 =	simm.s32 @p2 $0x1082  }
0x22: {  	[simem:s7], [sflag:s8] =	dma.local @!p0 [hbm:s6], $0xF7A  }
0x23: {  	s9 =	sor.u32 $0xD0000000, s2;
	s6 =	simm.s32 $0x108;
	_ =	swait.ge @!p0 [sflag:s8], $0x0  }
0x24: {  	s3 =	sadd.s32 $0x88, s3;
	s6 =	simm.s32 @!p1 $0x1082;
	[sflag:s4] =	ssyncset.s32 $0xFFFFF086  }
0x25: {  	[simem:s6], [sflag:s4] =	dma.local [hbm:s3], $0xF7A  }
0x26: {  	[smem:$0x3F9F] =	sst s1;
	(tag) =	ssettag s2;
	_ =	strace s9  }
0x27: {  	s1 =	sld [smem:$0x3FAF]  }
0x28: {  	s2 =	sld [smem:$0x3FB0]  }
0x29: {  	s4 =	sld [smem:$0x3FB2]  }
0x2a: {  	p0 =	seq.s32 s5, $0x0;
	s5 =	sld [smem:$0x3FB3]  }
0x2b: {  	s6 =	sld [smem:$0x3FB4]  }
0x2c: {  	s7 =	sld [smem:$0x3FB5]  }
0x2d: {  	s3 =	simm.s32 $0x108;
	s8 =	sld [smem:$0x3FB6]  }
0x2e: {  	s3 =	simm.s32 @!p0 $0x1082;
	s9 =	sld [smem:$0x3FB7]  }
0x2f: {  	lr =	sadd.s32 s0, s3;
	s0 =	sld [smem:$0x3FAE]  }
0x30: {  	s3 =	sld [smem:$0x3FB1]  }
0x31: {  	[smem:$0x3FBA] =	sst s10  }
0x32: {  	s10 =	sld [smem:$0x3FB8];
	_ =	sdelay $0x3  }
0x33: {  	p0 =	seq.s32 s10, $0x1;
	s10 =	sld [smem:$0x3FBA];
	_ =	sdelay $0x3  }
0x34: {  	[smem:$0x3FBA] =	sst s10  }
0x35: {  	s10 =	sld [smem:$0x3FB9];
	_ =	sdelay $0x3  }
0x36: {  	p1 =	seq.s32 s10, $0x1;
	s10 =	sld [smem:$0x3FBA];
	_ =	sdelay $0x3  }
0x37: {  	[smem:$0x3FBA] =	sst s10  }
0x38: {  	s10 =	sld [smem:$0x3FBB]  }
0x39: {  	_ = 	snop;
	(pc) =	sbr.ind lr, $3  }
0x3a: {  	_ = 	snop  }
0x3b: {  	_ = 	snop  }
0x3c: {  	p2 =	seq.s32 s10, $0x1;
	s10 =	sld [smem:$0x3FBA]  }
0x3d: {  	_ =	shalt  }
0x3e: {  	_ =	shalt  }
0x3f: {  	_ =	shalt  }
0x40: {  	_ =	shalt  }
0x41: {  	_ =	shalt  }
0x42: {  	_ =	shalt  }
0x43: {  	_ =	shalt  }
0x44: {  	_ =	shalt  }
0x45: {  	_ =	shalt  }
0x46: {  	_ =	shalt  }
0x47: {  	_ =	shalt  }
0x48: {  	_ =	shalt  }
0x49: {  	_ =	shalt  }
0x4a: {  	_ =	shalt  }
0x4b: {  	_ =	shalt  }
0x4c: {  	_ =	shalt  }
0x4d: {  	_ =	shalt  }
0x4e: {  	_ =	shalt  }
0x4f: {  	_ =	shalt  }
0x50: {  	_ =	shalt  }
0x51: {  	_ =	shalt  }
0x52: {  	_ =	shalt  }
0x53: {  	_ =	shalt  }
0x54: {  	_ =	shalt  }
0x55: {  	_ =	shalt  }
0x56: {  	_ =	shalt  }
0x57: {  	_ =	shalt  }
0x58: {  	_ =	shalt  }
0x59: {  	_ =	shalt  }
0x5a: {  	_ =	shalt  }
0x5b: {  	_ =	shalt  }
0x5c: {  	_ =	shalt  }
0x5d: {  	_ =	shalt  }
0x5e: {  	_ =	shalt  }
0x5f: {  	_ =	shalt  }
0x60: {  	_ =	shalt  }
0x61: {  	_ =	shalt  }
0x62: {  	_ =	shalt  }
0x63: {  	_ =	shalt  }
0x64: {  	_ =	shalt  }
0x65: {  	_ =	shalt  }
0x66: {  	_ =	shalt  }
0x67: {  	_ =	shalt  }
0x68: {  	_ =	shalt  }
0x69: {  	_ =	shalt  }
0x6a: {  	_ =	shalt  }
0x6b: {  	_ =	shalt  }
0x6c: {  	_ =	shalt  }
0x6d: {  	_ =	shalt  }
0x6e: {  	_ =	shalt  }
0x6f: {  	_ =	shalt  }
0x70: {  	_ =	shalt  }
0x71: {  	_ =	shalt  }
0x72: {  	_ =	shalt  }
0x73: {  	_ =	shalt  }
0x74: {  	_ =	shalt  }
0x75: {  	_ =	shalt  }
0x76: {  	_ =	shalt  }
0x77: {  	_ =	shalt  }
0x78: {  	_ =	shalt  }
0x79: {  	_ =	shalt  }
0x7a: {  	_ =	shalt  }
0x7b: {  	_ =	shalt  }
0x7c: {  	_ =	shalt  }
0x7d: {  	_ =	shalt  }
0x7e: {  	_ =	shalt  }
0x7f: {  	_ =	shalt  }
0x80: {  	_ =	shalt  }
0x81: {  	_ =	shalt  }
0x82: {  	_ =	shalt  }
0x83: {  	_ =	shalt  }
0x84: {  	_ =	shalt  }
0x85: {  	_ =	shalt  }
0x86: {  	_ =	shalt  }
0x87: {  	_ =	shalt  }
.Lfunc_end0:
.L_simem_size_0:
called_computation.1_lowered:
.L_overlay_start_0:
0x88: {  	s2 =	sld [smem:$0x3FD9]  }
0x89: {  	s3 =	sld [smem:$0x3FFE];
	_ =	sdelay $0x1  }
0x8a: {  	s1 =	srdreg.scid  }
0x8b: {  	s0 =	sand.u32 $0x1, s1  }
0x8c: {  	s17 =	sshll.u32 s0, $0xA;
	s2 =	sadd.s32 s3, s2  }
0x8d: {  	s2 =	sadd.s32 s2, s17  }
0x8e: {  	[smem:$0x3FC6] =	sst s2  }
0x8f: {  	_ = 	snop  }
0x90: {  	s2 =	sld [smem:$0x3FD0];
	(tm) =	ssettm $0x1  }
0x91: {  	s18 =	sld [smem:$0x3FFB];
	_ =	sdelay $0x3  }
0x92: {  	_ =	strace s18  }
0x93: {  	s3 =	sld [smem:$0x3FFC];
	_ =	sdelay $0x3  }
0x94: {  	_ =	strace s3  }
0x95: {  	s3 =	sld [smem:$0x3FFD];
	_ =	sdelay $0x3  }
0x96: {  	_ =	strace s3  }
0x97: {  	_ =	strace $0x8FFFFFFF  }
0x98: {  	s19 =	sld [smem:$0x3FDB];
	_ =	sdelay $0x1  }
0x99: {  	s4 =	simm.s32 $_scs_section_size  }
0x9a: {  	s5 =	simm.s32 $_size__tile_overlayer_lowered;
	s6 =	simm.s32 $_tile_overlayer_lowered  }
0x9b: {  	s22 =	simm.s32 $0x1BFF;
	s21 =	sshll.u32 s6, $0x1;
	s3 =	sadd.s32 s4, s19  }
0x9c: {  	s7 =	simm.s32 $0x0;
	s20 =	sshll.u32 s5, $0x1;
	s5 =	sadd.s32 s21, s3  }
0x9d: {  	[timem:s7], [sflag:s22] =	dma.local [hbm:s5], s20  }
0x9e: {  	_ =	swait.ge [sflag:s22], s20  }
0x9f: {  	s4 =	ssub.s32 $0x0, s20;
	[sflag:s22] =	ssyncset.done $0x0  }
0xa0: {  	[sflag:s22] =	ssyncadd.s32 s4;
	_ =	sdelay $0x1  }
0xa1: {  	s23 =	simm.s32 $0x1B8B  }
0xa2: {  	_ =	swait.ge [sflag:s23], $0x1  }
0xa3: {  	[sflag:s23] =	ssyncset.done $0x0  }
0xa4: {  	s25 =	simm.s32 $0x1B8E;
	s24 =	sld [smem:$0x3FFE];
	[sflag:s23] =	ssyncadd.s32 $0xFFFFFFFF  }
0xa5: {  	s26 =	simm.s32 $execute0_lowered;
	[smem:$0x3FD2] =	sst s25  }
0xa6: {  	s5 =	sshll.u32 s26, $0x1;
	_ =	strace $0x80000046;
	[dreg:$0x1] =	wrdreg $0xFFFFFFFF  }
0xa7: {  	s28 =	simm.s32 $_size_execute0_lowered;
	s3 =	sadd.s32 s3, s5;
	[dreg:$0x0] =	wrdreg $0x0  }
0xa8: {  	s5 =	sshll.u32 s28, $0x1;
	[dreg:$0x2] =	wrdreg s3  }
0xa9: {  	[dreg:$0x3] =	wrdreg s5  }
0xaa: {  	[dreg:$0x4] =	wrdreg $0xC0  }
0xab: {  	_ =	task [dreg:s7], $0x5FFFF  }
0xac: {  	[dreg:$0x1] =	wrdreg $0xFFFFFFFF  }
0xad: {  	[dreg:$0x0] =	wrdreg $0x60  }
0xae: {  	[dreg:$0x2] =	wrdreg s24  }
0xaf: {  	[dreg:$0x3] =	wrdreg s2  }
0xb0: {  	[dreg:$0x4] =	wrdreg $0x9  }
0xb1: {  	_ =	task.clear_ibuf [dreg:s7], $0x5FFFF;
	_ =	strace $0x90000046  }
0xb2: {  	s29 =	simm.s32 $0x9;
	_ =	strace $0x80000048  }
0xb3: {  	_ =	swait.ge [sflag:s29], $0x1  }
0xb4: {  	[sflag:s29] =	ssyncadd.s32 $0xFFFFFFFF  }
0xb5: {  	_ =	strace $0x90000048  }
0xb6: {  	_ =	sfence  }
0xb7: {  	s30 =	sld [smem:$0x0];
	_ =	sdelay $0x2  }
0xb8: {  	s31 =	sshll.u32 s1, $0xD;
	s1 =	sshrl.u32 s1, $0x2  }
0xb9: {  	s3 =	sand.u32 $0x4000, s31;
	s1 =	sadd.s32 s1, s30  }
0xba: {  	s0 =	sor.u32 s3, s0;
	s1 =	sshll.u32 s1, $0x11  }
0xbb: {  	s0 =	sor.u32 s1, s0  }
0xbc: {  	s0 =	sadd.s32 $0x8F2B, s0  }
0xbd: {  	[sflag:s0] =	ssyncadd.remote.s32 $0x1  }
0xbe: {  	_ =	sfence.sel $0xFFFF  }
0xbf: {  	[dreg:$0x0] =	wrdreg $0xFFFFFFFF;
	(pc) =	sbr.abs _section_cstart, $3  }
0xc0: {  	[dreg:$0x1] =	wrdreg $0xFFFFFFFF  }
0xc1: {  	_ =	task.clear_ibuf [dreg:s7], $0x2FFFF;
	_ =	strace $0x9FFFFFFF  }
0xc2: {  	(tm) =	ssettm $0x7FFFFFFF  }
0xc3: {  	_ =	shalt  }
tec
execute0_lowered:
.L_overlay_start_1:
0x0: {  	(tag) =	ssettag $0x1  }
0x1: {  	s0 =	rddreg [dreg:$0x0]  }
0x2: {  	s12 =	rddreg [dreg:$0x1];
	s1 =	srdreg.scid  }
0x3: {  	s9 =	stileid.u32;
	s3 =	simm.s32 $0x0;
	s13 =	simm.s32 $0x5  }
0x4: {  	s14 =	simm.s32 $0x80;
	s15 =	simm.s32 $0x6400;
	s16 =	simm.s32 $0x8400  }
0x5: {  	s18 =	simm.s32 $0xA400;
	s20 =	simm.s32 $0xC400;
	s22 =	simm.s32 $0xE400  }
0x6: {  	s29 =	simm.s32 $0x14400;
	s31 =	simm.s32 $0x16400;
	s7 =	smul.u32 $0xC800, s9  }
0x7: {  	s17 =	simm.s32 $0x3;
	s1 =	sand.u32 $0x1, s1;
	s25 =	smul.u32 $0x64000, s9  }
0x8: {  	s30 =	simm.s32 $0x2;
	s2 =	sshll.u32 s9, $0x1;
	s8 =	smul.u32 $0x6400, s1  }
0x9: {  	s2 =	sor.u32 s1, s2;
	s6 =	ssub.s32 $0x2, s1;
	s1 =	smul.u32 $0x32000, s1  }
0xa: {  	[smem:$0x7FF] =	sst s3;
	s4 =	sadd.s32 $0xF42E00, s0;
	s5 =	smul.u32 $0x6400, s2  }
0xb: {  	s19 =	simm.s32 $0x0;
	_ =	strace $0x80000047;
	s2 =	smul.u32 $0x32000, s2  }
0xc: {  	s24 =	sshrl.u32 s6, $0x1;
	s26 =	sadd.s32 s8, s7;
	s5 =	sshrl.u32 s5, $0x3  }
0xd: {  	s7 =	sadd.s32 s12, s2;
	s8 =	sadd.s32 $0x780, s26;
	s26 =	simm.s32 $0x12400  }
0xe: {  	s0 =	sadd.s32 s5, s0;
	s5 =	ssub.s32 s6, s24;
	s2 =	sadd.s32 $0x1400, s7  }
0xf: {  	s28 =	sshll.u32 s8, $0x3;
	s10 =	sadd.s32 $0x2F800, s7;
	s24 =	simm.s32 $0x10400  }
0x10: {  	s0 =	sadd.s32 $0xA00, s0;
	s5 =	smax.u32 s5, $0x1;
	[dreg:$0x5] =	wrdreg s2  }
0x11: {  	s2 =	simm.s32 $0x1;
	[dreg:$0x3] =	wrdreg s0;
	s0 =	sadd.s32 s25, s12  }
0x12: {  	[dreg:$0x4] =	wrdreg s5;
	s5 =	sadd.s32 s28, s12;
	s0 =	sadd.s32 s1, s0  }
0x13: {  	s1 =	simm.s32 $0x18400;
	s11 =	sadd.s32 $0x2800, s0;
	s0 =	simm.s32 $0x4  }
.LBB2_1:
0x14: {  	s6 =	rddreg [dreg:$0x3]  }
0x15: {  	[tilespmem:s3], [sflag:$0x5] =	stream.linear.gather [hbm4b:s6+s3], $0x6400, $0x38;
	[tilespmem:$0x1A400] =	vst v63  }
0x16: {  	_ =	swait.ge [sflag:s13], $0x6400  }
0x17: {  	[sflag:s13] =	ssyncset.done $0x0  }
0x18: {  	[sflag:s13] =	ssyncadd.s32 $0xFFFF9C00  }
0x19: {  	[tilespmem:s15], [sflag:$0x1] =	stream.indirect.gather [hbm4b:s4+s14], $0x40, s3, s14, $0xb8;
	[tilespmem:$0x1A400] =	vst v63  }
0x1a: {  	_ = 	snop  }
0x1b: {  	[tilespmem:s16], [sflag:$0x1] =	stream.indirect.gather [hbm4b:s4+s14], $0x40, s14, s14, $0xb8;
	[tilespmem:$0x1A400] =	vst v63  }
0x1c: {  	s12 =	simm.s32 $0x100  }
0x1d: {  	[tilespmem:s18], [sflag:$0x1] =	stream.indirect.gather [hbm4b:s4+s14], $0x40, s12, s14, $0xb8;
	[tilespmem:$0x1A400] =	vst v63  }
0x1e: {  	s21 =	simm.s32 $0x180  }
0x1f: {  	[tilespmem:s20], [sflag:$0x1] =	stream.indirect.gather [hbm4b:s4+s14], $0x40, s21, s14, $0xb8;
	[tilespmem:$0x1A400] =	vst v63  }
0x20: {  	s23 =	simm.s32 $0x200  }
0x21: {  	[tilespmem:s22], [sflag:$0x1] =	stream.indirect.gather [hbm4b:s4+s14], $0x40, s23, s14, $0xb8;
	[tilespmem:$0x1A400] =	vst v63  }
0x22: {  	s25 =	simm.s32 $0x280  }
0x23: {  	[tilespmem:s24], [sflag:$0x2] =	stream.indirect.gather [hbm4b:s4+s14], $0x40, s25, s14, $0xb8;
	[tilespmem:$0x1A400] =	vst v63  }
0x24: {  	s9 =	simm.s32 $0x300  }
0x25: {  	[tilespmem:s26], [sflag:$0x2] =	stream.indirect.gather [hbm4b:s4+s14], $0x40, s9, s14, $0xb8;
	[tilespmem:$0x1A400] =	vst v63  }
0x26: {  	s12 =	simm.s32 $0x380  }
0x27: {  	[tilespmem:s29], [sflag:$0x2] =	stream.indirect.gather [hbm4b:s4+s14], $0x40, s12, s14, $0xb8;
	[tilespmem:$0x1A400] =	vst v63  }
0x28: {  	s21 =	simm.s32 $0x400  }
0x29: {  	[tilespmem:s31], [sflag:$0x2] =	stream.indirect.gather [hbm4b:s4+s14], $0x40, s21, s14, $0xb8;
	[tilespmem:$0x1A400] =	vst v63  }
0x2a: {  	s23 =	simm.s32 $0x480  }
0x2b: {  	[tilespmem:s1], [sflag:$0x2] =	stream.indirect.gather [hbm4b:s4+s14], $0x40, s23, s14, $0xb8;
	[tilespmem:$0x1A400] =	vst v63  }
0x2c: {  	_ =	swait.ge [sflag:s2], $0x2000  }
0x2d: {  	[sflag:s2] =	ssyncset.done $0x0  }
0x2e: {  	[sflag:s2] =	ssyncadd.s32 $0xFFFFE000  }
0x2f: {  	_ =	swait.ge [sflag:s2], $0x2000  }
0x30: {  	[sflag:s2] =	ssyncset.done $0x0  }
0x31: {  	[sflag:s2] =	ssyncadd.s32 $0xFFFFE000  }
0x32: {  	_ =	swait.ge [sflag:s2], $0x2000  }
0x33: {  	[sflag:s2] =	ssyncset.done $0x0  }
0x34: {  	[sflag:s2] =	ssyncadd.s32 $0xFFFFE000  }
0x35: {  	_ =	swait.ge [sflag:s2], $0x2000  }
0x36: {  	[sflag:s2] =	ssyncset.done $0x0  }
0x37: {  	[sflag:s2] =	ssyncadd.s32 $0xFFFFE000  }
0x38: {  	_ =	swait.ge [sflag:s2], $0x2000  }
0x39: {  	[sflag:s2] =	ssyncset.done $0x0  }
0x3a: {  	[sflag:s2] =	ssyncadd.s32 $0xFFFFE000  }
0x3b: {  	[hbm4b:s7+s3] =	stream.linear.scatter [tilespmem:s15], [sflag:$0x3], $0xA000, $0x38;
	[tilespmem:$0x1A400] =	vst v63  }
0x3c: {  	_ =	swait.ge [sflag:s17], $0xA000  }
0x3d: {  	[sflag:s17] =	ssyncset.done $0x0  }
0x3e: {  	s25 =	simm.s32 $0x500;
	[sflag:s17] =	ssyncadd.s32 $0xFFFF6000  }
0x3f: {  	[tilespmem:s15], [sflag:$0x1] =	stream.indirect.gather [hbm4b:s4+s14], $0x40, s25, s14, $0xb8;
	[tilespmem:$0x1A400] =	vst v63  }
0x40: {  	s9 =	simm.s32 $0x580  }
0x41: {  	[tilespmem:s16], [sflag:$0x1] =	stream.indirect.gather [hbm4b:s4+s14], $0x40, s9, s14, $0xb8;
	[tilespmem:$0x1A400] =	vst v63  }
0x42: {  	s12 =	simm.s32 $0x600  }
0x43: {  	[tilespmem:s18], [sflag:$0x1] =	stream.indirect.gather [hbm4b:s4+s14], $0x40, s12, s14, $0xb8;
	[tilespmem:$0x1A400] =	vst v63  }
0x44: {  	s21 =	simm.s32 $0x680  }
0x45: {  	[tilespmem:s20], [sflag:$0x1] =	stream.indirect.gather [hbm4b:s4+s14], $0x40, s21, s14, $0xb8;
	[tilespmem:$0x1A400] =	vst v63  }
0x46: {  	s23 =	simm.s32 $0x700  }
0x47: {  	[tilespmem:s22], [sflag:$0x1] =	stream.indirect.gather [hbm4b:s4+s14], $0x40, s23, s14, $0xb8;
	[tilespmem:$0x1A400] =	vst v63  }
0x48: {  	_ =	swait.ge [sflag:s30], $0x2000  }
0x49: {  	[sflag:s30] =	ssyncset.done $0x0  }
0x4a: {  	[sflag:s30] =	ssyncadd.s32 $0xFFFFE000  }
0x4b: {  	_ =	swait.ge [sflag:s30], $0x2000  }
0x4c: {  	[sflag:s30] =	ssyncset.done $0x0  }
0x4d: {  	[sflag:s30] =	ssyncadd.s32 $0xFFFFE000  }
0x4e: {  	_ =	swait.ge [sflag:s30], $0x2000  }
0x4f: {  	[sflag:s30] =	ssyncset.done $0x0  }
0x50: {  	[sflag:s30] =	ssyncadd.s32 $0xFFFFE000  }
0x51: {  	_ =	swait.ge [sflag:s30], $0x2000  }
0x52: {  	[sflag:s30] =	ssyncset.done $0x0  }
0x53: {  	[sflag:s30] =	ssyncadd.s32 $0xFFFFE000  }
0x54: {  	_ =	swait.ge [sflag:s30], $0x2000  }
0x55: {  	[sflag:s30] =	ssyncset.done $0x0  }
0x56: {  	s25 =	rddreg [dreg:$0x5];
	[sflag:s30] =	ssyncadd.s32 $0xFFFFE000  }
0x57: {  	[hbm4b:s25+s3] =	stream.linear.scatter [tilespmem:s24], [sflag:$0x4], $0xA000, $0x38;
	[tilespmem:$0x1A400] =	vst v63  }
0x58: {  	_ =	swait.ge [sflag:s0], $0xA000  }
0x59: {  	[sflag:s0] =	ssyncset.done $0x0  }
0x5a: {  	s9 =	simm.s32 $0x780;
	[sflag:s0] =	ssyncadd.s32 $0xFFFF6000  }
0x5b: {  	[tilespmem:s24], [sflag:$0x2] =	stream.indirect.gather [hbm4b:s4+s14], $0x40, s9, s14, $0xb8;
	[tilespmem:$0x1A400] =	vst v63  }
0x5c: {  	s12 =	simm.s32 $0x800  }
0x5d: {  	[tilespmem:s26], [sflag:$0x2] =	stream.indirect.gather [hbm4b:s4+s14], $0x40, s12, s14, $0xb8;
	[tilespmem:$0x1A400] =	vst v63  }
0x5e: {  	s21 =	simm.s32 $0x880  }
0x5f: {  	[tilespmem:s29], [sflag:$0x2] =	stream.indirect.gather [hbm4b:s4+s14], $0x40, s21, s14, $0xb8;
	[tilespmem:$0x1A400] =	vst v63  }
0x60: {  	s23 =	simm.s32 $0x900  }
0x61: {  	[tilespmem:s31], [sflag:$0x2] =	stream.indirect.gather [hbm4b:s4+s14], $0x40, s23, s14, $0xb8;
	[tilespmem:$0x1A400] =	vst v63  }
0x62: {  	s25 =	simm.s32 $0x980  }
0x63: {  	[tilespmem:s1], [sflag:$0x2] =	stream.indirect.gather [hbm4b:s4+s14], $0x40, s25, s14, $0xb8;
	[tilespmem:$0x1A400] =	vst v63  }
0x64: {  	_ =	swait.ge [sflag:s2], $0x2000  }
0x65: {  	[sflag:s2] =	ssyncset.done $0x0  }
0x66: {  	[sflag:s2] =	ssyncadd.s32 $0xFFFFE000  }
0x67: {  	_ =	swait.ge [sflag:s2], $0x2000  }
0x68: {  	[sflag:s2] =	ssyncset.done $0x0  }
0x69: {  	[sflag:s2] =	ssyncadd.s32 $0xFFFFE000  }
0x6a: {  	_ =	swait.ge [sflag:s2], $0x2000  }
0x6b: {  	[sflag:s2] =	ssyncset.done $0x0  }
0x6c: {  	[sflag:s2] =	ssyncadd.s32 $0xFFFFE000  }
0x6d: {  	_ =	swait.ge [sflag:s2], $0x2000  }
0x6e: {  	[sflag:s2] =	ssyncset.done $0x0  }
0x6f: {  	[sflag:s2] =	ssyncadd.s32 $0xFFFFE000  }
0x70: {  	_ =	swait.ge [sflag:s2], $0x2000  }
0x71: {  	[sflag:s2] =	ssyncset.done $0x0  }
0x72: {  	[sflag:s2] =	ssyncadd.s32 $0xFFFFE000  }
0x73: {  	[hbm4b:s11+s3] =	stream.linear.scatter [tilespmem:s15], [sflag:$0x3], $0xA000, $0x38;
	[tilespmem:$0x1A400] =	vst v63  }
0x74: {  	_ =	swait.ge [sflag:s17], $0xA000  }
0x75: {  	[sflag:s17] =	ssyncset.done $0x0  }
0x76: {  	s9 =	simm.s32 $0xA00;
	[sflag:s17] =	ssyncadd.s32 $0xFFFF6000  }
0x77: {  	[tilespmem:s15], [sflag:$0x1] =	stream.indirect.gather [hbm4b:s4+s14], $0x40, s9, s14, $0xb8;
	[tilespmem:$0x1A400] =	vst v63  }
0x78: {  	s12 =	simm.s32 $0xA80  }
0x79: {  	[tilespmem:s16], [sflag:$0x1] =	stream.indirect.gather [hbm4b:s4+s14], $0x40, s12, s14, $0xb8;
	[tilespmem:$0x1A400] =	vst v63  }
0x7a: {  	s21 =	simm.s32 $0xB00  }
0x7b: {  	[tilespmem:s18], [sflag:$0x1] =	stream.indirect.gather [hbm4b:s4+s14], $0x40, s21, s14, $0xb8;
	[tilespmem:$0x1A400] =	vst v63  }
0x7c: {  	s23 =	simm.s32 $0xB80  }
0x7d: {  	[tilespmem:s20], [sflag:$0x1] =	stream.indirect.gather [hbm4b:s4+s14], $0x40, s23, s14, $0xb8;
	[tilespmem:$0x1A400] =	vst v63  }
0x7e: {  	s25 =	simm.s32 $0xC00  }
0x7f: {  	[tilespmem:s22], [sflag:$0x1] =	stream.indirect.gather [hbm4b:s4+s14], $0x40, s25, s14, $0xb8;
	[tilespmem:$0x1A400] =	vst v63  }
0x80: {  	_ =	swait.ge [sflag:s30], $0x2000  }
0x81: {  	[sflag:s30] =	ssyncset.done $0x0  }
0x82: {  	[sflag:s30] =	ssyncadd.s32 $0xFFFFE000  }
0x83: {  	_ =	swait.ge [sflag:s30], $0x2000  }
0x84: {  	[sflag:s30] =	ssyncset.done $0x0  }
0x85: {  	[sflag:s30] =	ssyncadd.s32 $0xFFFFE000  }
0x86: {  	_ =	swait.ge [sflag:s30], $0x2000  }
0x87: {  	[sflag:s30] =	ssyncset.done $0x0  }
0x88: {  	[sflag:s30] =	ssyncadd.s32 $0xFFFFE000  }
0x89: {  	_ =	swait.ge [sflag:s30], $0x2000  }
0x8a: {  	[sflag:s30] =	ssyncset.done $0x0  }
0x8b: {  	[sflag:s30] =	ssyncadd.s32 $0xFFFFE000  }
0x8c: {  	s28 =	sadd.s32 $0x2800, s11;
	_ =	swait.ge [sflag:s30], $0x2000  }
0x8d: {  	s12 =	smov.u32 s5;
	s21 =	sadd.s32 $0x500, s8;
	[sflag:s30] =	ssyncset.done $0x0  }
0x8e: {  	s23 =	simm.s32 $0x1400;
	s25 =	sadd.s32 $0x2800, s5;
	[sflag:s30] =	ssyncadd.s32 $0xFFFFE000  }
.LBB2_2:
0x8f: {  	[hbm4b:s12+s3] =	stream.linear.scatter [tilespmem:s24], [sflag:$0x4], $0xA000, $0x38;
	[tilespmem:$0x1A400] =	vst v63  }
0x90: {  	s6 =	smov.u32 s23;
	s23 =	sadd.s32 $0x1400, s23;
	_ =	swait.ge [sflag:s0], $0xA000  }
0x91: {  	s6 =	sshra.s32 s6, $0x2;
	p0 =	sne.s32 s23, $0x16800;
	[sflag:s0] =	ssyncset.done $0x0  }
0x92: {  	s12 =	smov.u32 s25;
	s9 =	sadd.s32 $0x780, s6;
	[sflag:s0] =	ssyncadd.s32 $0xFFFF6000  }
0x93: {  	[tilespmem:s24], [sflag:$0x2] =	stream.indirect.gather [hbm4b:s4+s14], $0x40, s9, s14, $0xb8;
	[tilespmem:$0x1A400] =	vst v63  }
0x94: {  	s9 =	sadd.s32 $0x800, s6  }
0x95: {  	[tilespmem:s26], [sflag:$0x2] =	stream.indirect.gather [hbm4b:s4+s14], $0x40, s9, s14, $0xb8;
	[tilespmem:$0x1A400] =	vst v63  }
0x96: {  	s9 =	sadd.s32 $0x880, s6  }
0x97: {  	[tilespmem:s29], [sflag:$0x2] =	stream.indirect.gather [hbm4b:s4+s14], $0x40, s9, s14, $0xb8;
	[tilespmem:$0x1A400] =	vst v63  }
0x98: {  	s9 =	sadd.s32 $0x900, s6  }
0x99: {  	[tilespmem:s31], [sflag:$0x2] =	stream.indirect.gather [hbm4b:s4+s14], $0x40, s9, s14, $0xb8;
	[tilespmem:$0x1A400] =	vst v63  }
0x9a: {  	s9 =	sadd.s32 $0x980, s6  }
0x9b: {  	[tilespmem:s1], [sflag:$0x2] =	stream.indirect.gather [hbm4b:s4+s14], $0x40, s9, s14, $0xb8;
	[tilespmem:$0x1A400] =	vst v63  }
0x9c: {  	_ =	swait.ge [sflag:s2], $0x2000  }
0x9d: {  	[sflag:s2] =	ssyncset.done $0x0  }
0x9e: {  	[sflag:s2] =	ssyncadd.s32 $0xFFFFE000  }
0x9f: {  	_ =	swait.ge [sflag:s2], $0x2000  }
0xa0: {  	[sflag:s2] =	ssyncset.done $0x0  }
0xa1: {  	[sflag:s2] =	ssyncadd.s32 $0xFFFFE000  }
0xa2: {  	_ =	swait.ge [sflag:s2], $0x2000  }
0xa3: {  	[sflag:s2] =	ssyncset.done $0x0  }
0xa4: {  	[sflag:s2] =	ssyncadd.s32 $0xFFFFE000  }
0xa5: {  	_ =	swait.ge [sflag:s2], $0x2000  }
0xa6: {  	[sflag:s2] =	ssyncset.done $0x0  }
0xa7: {  	[sflag:s2] =	ssyncadd.s32 $0xFFFFE000  }
0xa8: {  	_ =	swait.ge [sflag:s2], $0x2000  }
0xa9: {  	[sflag:s2] =	ssyncset.done $0x0  }
0xaa: {  	[sflag:s2] =	ssyncadd.s32 $0xFFFFE000  }
0xab: {  	[hbm4b:s28+s3] =	stream.linear.scatter [tilespmem:s15], [sflag:$0x3], $0xA000, $0x38;
	[tilespmem:$0x1A400] =	vst v63  }
0xac: {  	_ =	swait.ge [sflag:s17], $0xA000  }
0xad: {  	[sflag:s17] =	ssyncset.done $0x0  }
0xae: {  	s9 =	sadd.s32 $0xA00, s6;
	[sflag:s17] =	ssyncadd.s32 $0xFFFF6000  }
0xaf: {  	[tilespmem:s15], [sflag:$0x1] =	stream.indirect.gather [hbm4b:s4+s14], $0x40, s9, s14, $0xb8;
	[tilespmem:$0x1A400] =	vst v63  }
0xb0: {  	s9 =	sadd.s32 $0xA80, s6  }
0xb1: {  	[tilespmem:s16], [sflag:$0x1] =	stream.indirect.gather [hbm4b:s4+s14], $0x40, s9, s14, $0xb8;
	[tilespmem:$0x1A400] =	vst v63  }
0xb2: {  	s9 =	sadd.s32 $0xB00, s6  }
0xb3: {  	[tilespmem:s18], [sflag:$0x1] =	stream.indirect.gather [hbm4b:s4+s14], $0x40, s9, s14, $0xb8;
	[tilespmem:$0x1A400] =	vst v63  }
0xb4: {  	s9 =	sadd.s32 $0xB80, s6  }
0xb5: {  	[tilespmem:s20], [sflag:$0x1] =	stream.indirect.gather [hbm4b:s4+s14], $0x40, s9, s14, $0xb8;
	[tilespmem:$0x1A400] =	vst v63  }
0xb6: {  	s6 =	sadd.s32 $0xC00, s6  }
0xb7: {  	[tilespmem:s22], [sflag:$0x1] =	stream.indirect.gather [hbm4b:s4+s14], $0x40, s6, s14, $0xb8;
	[tilespmem:$0x1A400] =	vst v63  }
0xb8: {  	_ =	swait.ge [sflag:s30], $0x2000  }
0xb9: {  	[sflag:s30] =	ssyncset.done $0x0  }
0xba: {  	[sflag:s30] =	ssyncadd.s32 $0xFFFFE000  }
0xbb: {  	_ =	swait.ge [sflag:s30], $0x2000  }
0xbc: {  	[sflag:s30] =	ssyncset.done $0x0  }
0xbd: {  	[sflag:s30] =	ssyncadd.s32 $0xFFFFE000  }
0xbe: {  	_ =	swait.ge [sflag:s30], $0x2000  }
0xbf: {  	[sflag:s30] =	ssyncset.done $0x0  }
0xc0: {  	[sflag:s30] =	ssyncadd.s32 $0xFFFFE000  }
0xc1: {  	_ =	swait.ge [sflag:s30], $0x2000  }
.Ltmp0:
0xc2: {  	[sflag:s30] =	ssyncset.done $0x0;
	(pc) =	sbr.rel @p0 .LBB2_2-.Ltmp0, $4  }
0xc3: {  	[sflag:s30] =	ssyncadd.s32 $0xFFFFE000  }
0xc4: {  	_ =	swait.ge [sflag:s30], $0x2000  }
0xc5: {  	s25 =	sadd.s32 $0x2800, s25;
	[sflag:s30] =	ssyncset.done $0x0  }
0xc6: {  	s21 =	sadd.s32 $0x500, s21;
	s28 =	sadd.s32 $0x2800, s28;
	[sflag:s30] =	ssyncadd.s32 $0xFFFFE000  }
0xc7: {  	[hbm4b:s12+s3] =	stream.linear.scatter [tilespmem:s24], [sflag:$0x4], $0xA000, $0x38;
	[tilespmem:$0x1A400] =	vst v63  }
0xc8: {  	_ =	swait.ge [sflag:s0], $0xA000  }
0xc9: {  	s6 =	sshra.s32 s23, $0x2;
	[sflag:s0] =	ssyncset.done $0x0  }
0xca: {  	s9 =	sadd.s32 $0x780, s6;
	[sflag:s0] =	ssyncadd.s32 $0xFFFF6000  }
0xcb: {  	[tilespmem:s24], [sflag:$0x2] =	stream.indirect.gather [hbm4b:s4+s14], $0x40, s9, s14, $0xb8;
	[tilespmem:$0x1A400] =	vst v63  }
0xcc: {  	s25 =	sadd.s32 $0x800, s6  }
0xcd: {  	[tilespmem:s26], [sflag:$0x2] =	stream.indirect.gather [hbm4b:s4+s14], $0x40, s25, s14, $0xb8;
	[tilespmem:$0x1A400] =	vst v63  }
0xce: {  	s28 =	sadd.s32 $0x880, s6  }
0xcf: {  	[tilespmem:s29], [sflag:$0x2] =	stream.indirect.gather [hbm4b:s4+s14], $0x40, s28, s14, $0xb8;
	[tilespmem:$0x1A400] =	vst v63  }
0xd0: {  	s12 =	sadd.s32 $0x900, s6  }
0xd1: {  	[tilespmem:s31], [sflag:$0x2] =	stream.indirect.gather [hbm4b:s4+s14], $0x40, s12, s14, $0xb8;
	[tilespmem:$0x1A400] =	vst v63  }
0xd2: {  	s6 =	sadd.s32 $0x980, s6  }
0xd3: {  	[tilespmem:s1], [sflag:$0x2] =	stream.indirect.gather [hbm4b:s4+s14], $0x40, s6, s14, $0xb8;
	[tilespmem:$0x1A400] =	vst v63  }
0xd4: {  	_ =	swait.ge [sflag:s2], $0x2000  }
0xd5: {  	[sflag:s2] =	ssyncset.done $0x0  }
0xd6: {  	[sflag:s2] =	ssyncadd.s32 $0xFFFFE000  }
0xd7: {  	_ =	swait.ge [sflag:s2], $0x2000  }
0xd8: {  	[sflag:s2] =	ssyncset.done $0x0  }
0xd9: {  	[sflag:s2] =	ssyncadd.s32 $0xFFFFE000  }
0xda: {  	_ =	swait.ge [sflag:s2], $0x2000  }
0xdb: {  	[sflag:s2] =	ssyncset.done $0x0  }
0xdc: {  	[sflag:s2] =	ssyncadd.s32 $0xFFFFE000  }
0xdd: {  	_ =	swait.ge [sflag:s2], $0x2000  }
0xde: {  	[sflag:s2] =	ssyncset.done $0x0  }
0xdf: {  	[sflag:s2] =	ssyncadd.s32 $0xFFFFE000  }
0xe0: {  	_ =	swait.ge [sflag:s2], $0x2000  }
0xe1: {  	[sflag:s2] =	ssyncset.done $0x0  }
0xe2: {  	[sflag:s2] =	ssyncadd.s32 $0xFFFFE000  }
0xe3: {  	[hbm4b:s10+s3] =	stream.linear.scatter [tilespmem:s15], [sflag:$0x3], $0xA000, $0x38;
	[tilespmem:$0x1A400] =	vst v63  }
0xe4: {  	_ =	swait.ge [sflag:s30], $0x2000  }
0xe5: {  	[sflag:s30] =	ssyncset.done $0x0  }
0xe6: {  	[sflag:s30] =	ssyncadd.s32 $0xFFFFE000  }
0xe7: {  	_ =	swait.ge [sflag:s30], $0x2000  }
0xe8: {  	[sflag:s30] =	ssyncset.done $0x0  }
0xe9: {  	[sflag:s30] =	ssyncadd.s32 $0xFFFFE000  }
0xea: {  	_ =	swait.ge [sflag:s30], $0x2000  }
0xeb: {  	[sflag:s30] =	ssyncset.done $0x0  }
0xec: {  	[sflag:s30] =	ssyncadd.s32 $0xFFFFE000  }
0xed: {  	_ =	swait.ge [sflag:s30], $0x2000  }
0xee: {  	[sflag:s30] =	ssyncset.done $0x0  }
0xef: {  	[sflag:s30] =	ssyncadd.s32 $0xFFFFE000  }
0xf0: {  	_ =	swait.ge [sflag:s30], $0x2000  }
0xf1: {  	[sflag:s30] =	ssyncset.done $0x0  }
0xf2: {  	s23 =	sshll.u32 s21, $0x3;
	[sflag:s30] =	ssyncadd.s32 $0xFFFFE000  }
0xf3: {  	s6 =	sand.u32 $0x1FFFEC00, s23;
	s25 =	rddreg [dreg:$0x1]  }
0xf4: {  	s6 =	sadd.s32 s25, s6  }
0xf5: {  	[hbm4b:s6+s3] =	stream.linear.scatter [tilespmem:s24], [sflag:$0x4], $0xA000, $0x38;
	[tilespmem:$0x1A400] =	vst v63  }
0xf6: {  	_ =	swait.ge [sflag:s17], $0xA000  }
0xf7: {  	[sflag:s17] =	ssyncset.done $0x0  }
0xf8: {  	[sflag:s17] =	ssyncadd.s32 $0xFFFF6000  }
0xf9: {  	_ =	swait.ge [sflag:s0], $0xA000  }
0xfa: {  	s19 =	sadd.s32 $0x1, s19;
	s28 =	rddreg [dreg:$0x4]  }
0xfb: {  	p0 =	sne.s32 s19, s28  }
.Ltmp1:
0xfc: {  	_ = 	snop;
	(pc) =	sbr.rel @p0 .LBB2_1-.Ltmp1, $3  }
0xfd: {  	_ =	sdelay $0x1  }
0xfe: {  	[sflag:s0] =	ssyncset.done $0x0  }
0xff: {  	[sflag:s0] =	ssyncadd.s32 $0xFFFF6000  }
0x100: {  	_ =	sfence.sel $0x180000  }
0x101: {  	[bflag:$0x0] =	sbarrier.arrive $0xFFFF  }
0x102: {  	_ =	strace $0x90000047  }
0x103: {  	s0 =	stileid.u32;
	[bflag:$0x2] =	sbarrier.arrive $0xFFFF  }
0x104: {  	p0 =	sne.s32 s0, $0x0;
	s0 =	rddreg [dreg:$0x2]  }
0x105: {  	s0 =	sadd.s32 @!p0 $0x100000, s0  }
0x106: {  	[sflag:s0] =	ssyncadd.tile.s32 @!p0 $0x1;
	_ =	shalt  }
.Lfunc_end2:
_tile_overlayer_lowered:
.L_overlay_start_2:
0x107: {  	(tag) =	ssettag $0x2  }
0x108: {  	s0 =	rddreg [dreg:$0x0];
	s2 =	stileid.u32  }
0x109: {  	s1 =	rddreg [dreg:$0x1];
	p0 =	sne.s32 s2, $0x0  }
0x10a: {  	s3 =	rddreg [dreg:$0x2];
	[bflag:$0x3] =	sbarrier.arrive $0xFFFF;
	s2 =	simm.s32 @!p0 $0x1C05  }
0x10b: {  	[timem:s3], [sflag:s2] =	dma.local @!p0 [hbm:s0], s1  }
0x10c: {  	s0 =	simm.s32 @!p0 $0x5  }
0x10d: {  	_ =	swait.ge @!p0 [sflag:s0], s1  }
0x10e: {  	s1 =	ssub.s32 @!p0 $0x0, s1;
	[sflag:s0] =	ssyncset.done @!p0 $0x0  }
0x10f: {  	[sflag:s0] =	ssyncadd.s32 @!p0 s1  }
0x110: {  	[bflag:$0x3] =	sbarrier.arrive $0xFFFF  }
0x111: {  	_ =	shalt  }

// kernel: sparse-core-data-format-call.cloned.1.call-start
scs
called_computation_lowered:
.L_overlay_start_0:
0x0: {  	s2 =	sld [smem:$0x3FD9]  }
0x1: {  	s3 =	sld [smem:$0x3FFE];
	_ =	sdelay $0x1  }
0x2: {  	s1 =	srdreg.scid  }
0x3: {  	s0 =	sand.u32 $0x1, s1  }
0x4: {  	s18 =	sshll.u32 s0, $0xA;
	s2 =	sadd.s32 s3, s2  }
0x5: {  	s2 =	sadd.s32 s2, s18  }
0x6: {  	[smem:$0x3FC6] =	sst s2  }
0x7: {  	_ = 	snop  }
0x8: {  	s2 =	sld [smem:$0x3FD0];
	(tm) =	ssettm $0x1  }
0x9: {  	s19 =	sld [smem:$0x3FFB];
	_ =	sdelay $0x3  }
0xa: {  	_ =	strace s19  }
0xb: {  	s3 =	sld [smem:$0x3FFC];
	_ =	sdelay $0x3  }
0xc: {  	_ =	strace s3  }
0xd: {  	s3 =	sld [smem:$0x3FFD];
	_ =	sdelay $0x3  }
0xe: {  	_ =	strace s3  }
0xf: {  	_ =	strace $0x8FFFFFFF  }
0x10: {  	s20 =	sld [smem:$0x3FDB];
	_ =	sdelay $0x1  }
0x11: {  	s4 =	simm.s32 $_scs_section_size  }
0x12: {  	s5 =	simm.s32 $_size__tile_overlayer_lowered;
	s6 =	simm.s32 $_tile_overlayer_lowered  }
0x13: {  	s23 =	simm.s32 $0x1BFF;
	s22 =	sshll.u32 s6, $0x1;
	s3 =	sadd.s32 s4, s20  }
0x14: {  	s7 =	simm.s32 $0x0;
	s21 =	sshll.u32 s5, $0x1;
	s5 =	sadd.s32 s22, s3  }
0x15: {  	[timem:s7], [sflag:s23] =	dma.local [hbm:s5], s21  }
0x16: {  	_ =	swait.ge [sflag:s23], s21  }
0x17: {  	s4 =	ssub.s32 $0x0, s21;
	[sflag:s23] =	ssyncset.done $0x0  }
0x18: {  	[sflag:s23] =	ssyncadd.s32 s4;
	_ =	sdelay $0x1  }
0x19: {  	s24 =	simm.s32 $0x1B8B  }
0x1a: {  	_ =	swait.ge [sflag:s24], $0x1  }
0x1b: {  	[sflag:s24] =	ssyncset.done $0x0  }
0x1c: {  	s26 =	simm.s32 $0x1B8E;
	s25 =	sld [smem:$0x3FFE];
	[sflag:s24] =	ssyncadd.s32 $0xFFFFFFFF  }
0x1d: {  	s27 =	simm.s32 $execute0_lowered;
	[smem:$0x3FD2] =	sst s26  }
0x1e: {  	s5 =	sshll.u32 s27, $0x1;
	_ =	strace $0x80000049;
	[dreg:$0x1] =	wrdreg $0xFFFFFFFF  }
0x1f: {  	s28 =	simm.s32 $_size_execute0_lowered;
	s3 =	sadd.s32 s3, s5;
	[dreg:$0x0] =	wrdreg $0x0  }
0x20: {  	s5 =	sshll.u32 s28, $0x1;
	[dreg:$0x2] =	wrdreg s3  }
0x21: {  	[dreg:$0x3] =	wrdreg s5  }
0x22: {  	[dreg:$0x4] =	wrdreg $0xC0  }
0x23: {  	_ =	task [dreg:s7], $0x5FFFF  }
0x24: {  	[dreg:$0x1] =	wrdreg $0xFFFFFFFF  }
0x25: {  	[dreg:$0x0] =	wrdreg $0x60  }
0x26: {  	[dreg:$0x2] =	wrdreg s25  }
0x27: {  	[dreg:$0x3] =	wrdreg s2  }
0x28: {  	[dreg:$0x4] =	wrdreg $0x9  }
0x29: {  	_ =	task.clear_ibuf [dreg:s7], $0x5FFFF;
	_ =	strace $0x90000049  }
0x2a: {  	s29 =	simm.s32 $0x9;
	_ =	strace $0x8000004B  }
0x2b: {  	_ =	swait.ge [sflag:s29], $0x1  }
0x2c: {  	[sflag:s29] =	ssyncadd.s32 $0xFFFFFFFF  }
0x2d: {  	_ =	strace $0x9000004B  }
0x2e: {  	_ =	sfence  }
0x2f: {  	s30 =	sld [smem:$0x0];
	_ =	sdelay $0x2  }
0x30: {  	s31 =	sshll.u32 s1, $0xD;
	s1 =	sshrl.u32 s1, $0x2  }
0x31: {  	s3 =	sand.u32 $0x4000, s31;
	s1 =	sadd.s32 s1, s30  }
0x32: {  	s0 =	sor.u32 s3, s0;
	s1 =	sshll.u32 s1, $0x11  }
0x33: {  	s0 =	sor.u32 s1, s0  }
0x34: {  	s0 =	sadd.s32 $0x8F2B, s0  }
0x35: {  	[sflag:s0] =	ssyncadd.remote.s32 $0x1  }
0x36: {  	_ =	sfence.sel $0xFFFF  }
0x37: {  	[dreg:$0x0] =	wrdreg $0xFFFFFFFF;
	(pc) =	sbr.abs _section_cstart, $3  }
0x38: {  	[dreg:$0x1] =	wrdreg $0xFFFFFFFF  }
0x39: {  	_ =	task.clear_ibuf [dreg:s7], $0x2FFFF;
	_ =	strace $0x9FFFFFFF  }
0x3a: {  	(tm) =	ssettm $0x7FFFFFFF  }
0x3b: {  	_ =	shalt  }
tec
execute0_lowered:
.L_overlay_start_1:
0x0: {  	(tag) =	ssettag $0x1  }
0x1: {  	s0 =	srdreg.scid  }
0x2: {  	s1 =	sshll.u32 s0, $0x4  }
0x3: {  	s0 =	stileid.u32;
	s1 =	sand.u32 $0x10, s1  }
0x4: {  	s1 =	sor.u32 s0, s1  }
0x5: {  	s6 =	rddreg [dreg:$0x0];
	s4 =	simm.s32 $0x1;
	s2 =	sshll.u32 s1, $0x7  }
0x6: {  	s7 =	simm.s32 $0x2;
	s12 =	simm.s32 $0x0;
	s1 =	ssub.s32 $0x1000, s2  }
0x7: {  	s8 =	simm.s32 $0x8000;
	s13 =	simm.s32 $0x0;
	s3 =	sand.u32 $0xF80, s1  }
0x8: {  	s9 =	simm.s32 $0x0;
	s5 =	sshrl.u32 s1, $0xC;
	p0 =	sne.s32 s3, $0x0  }
.Ltmp0:
0x9: {  	s1 =	rddreg [dreg:$0x2];
	s4 =	simm.s32 @!p0 $0x0;
	(pc) =	sbr.rel .LBB1_1-.Ltmp0, $4  }
0xa: {  	s11 =	simm.s32 $0x0;
	s3 =	rddreg [dreg:$0x1];
	s5 =	sadd.s32 s4, s5  }
0xb: {  	_ =	strace $0x8000004A;
	s4 =	simm.s32 $0x1;
	s5 =	smul.u32 $0xC8, s5  }
0xc: {  	s6 =	sadd.s32 $0xA00, s6;
	s10 =	smov.u32 s2;
	[sflag:s4] =	ssyncpa.u1 $0x0  }
0xd: {  	p0 =	por $0x0, $0x0;
	[sflag:s7] =	ssyncpa.u1 $0x0;
	s7 =	sor.u32 $0x1, s5  }
.LBB1_4:
0xe: {  	s16 =	sshll.u32 s13, $0x3;
	s17 =	sand.u32 $0x78, s13  }
0xf: {  	s30 =	sand.u32 $0x7E00, s13;
	s12 =	sshll.u32 s12, $0xF;
	s16 =	sand.u32 $0xC00, s16  }
0x10: {  	[tilespmem:s15+$0x810 ss:$0x81] =	vst.msk $0xffff, v2;
	s31 =	sand.u32 $0x7, s13;
	s16 =	sor.u32 s17, s16;
	s17 =	sadd.s32 s3, s30  }
0x11: {  	[tilespmem:s15+$0x1020 ss:$0x81] =	vst.msk $0xffff, v0;
	s13 =	sshll.u32 s31, $0x12;
	s12 =	sadd.s32 s12, s17;
	s16 =	sshrl.u32 s16, $0x3  }
0x12: {  	[tilespmem:s15+$0x0 ss:$0x81] =	vst.msk $0xffff, v1;
	s13 =	sor.u32 $0x400, s13;
	s12 =	sadd.s32 s16, s12  }
0x13: {  	[hbm4b:s12+s13] =	stream.strided.scatter [tilespmem:s14], [sflag:$0x2], $0x2000, s8, s13, $0x20;
	[tilespmem:$0x8080] =	vst v63  }
.LBB1_5:
0x14: {  	s14 =	sadd.s32 $0x1, s9  }
0x15: {  	s12 =	sadd.s32 $0x1000, s10;
	s16 =	smov.u32 s10;
	p2 =	sgt.s32 s14, $0xC7  }
0x16: {  	s16 =	smov.u32 @p2 s12  }
0x17: {  	s14 =	simm.s32 @p2 $0x0;
	p2 =	sgt.s32 s16, $0xFFF  }
0x18: {  	s16 =	smov.u32 @p2 s2;
	p2 =	sne.s32 s11, s7  }
.Ltmp1:
0x19: {  	p1 =	slt.u32 s11, $0x2;
	(pc) =	sbr.rel @!p2 .LBB1_6-.Ltmp1, $4  }
0x1a: {  	s15 =	simm.s32 @!p1 $0x2  }
0x1b: {  	s13 =	smov.u32 s10;
	p0 =	por !p0, !p0;
	_ =	swait.ge @!p1 [sflag:s15], $0x2000  }
0x1c: {  	s12 =	smov.u32 s9;
	[sflag:s15] =	ssyncset.done @!p1 $0x0;
	s9 =	smov.u32 s14  }
0x1d: {  	s11 =	sadd.s32 $0x1, s11;
	[sflag:s15] =	ssyncadd.s32 @!p1 $0xFFFFE000;
	s10 =	smov.u32 s16  }
.LBB1_1:
0x1e: {  	p1 =	sge.u32 s11, s5  }
0x1f: {  	s14 =	sand.u32 @!p1 $0x1FFFFFF, s9  }
0x20: {  	s15 =	smulhi.u32 @!p1 $0x147AE15, s14;
	_ =	sdelay $0x1  }
0x21: {  	s15 =	smul.u32 @!p1 $0xC8, s15  }
0x22: {  	s16 =	sxor.u32 @!p1 $0xFFFFFFFF, s11;
	s17 =	smul.u32 @!p1 $0xC80, s10  }
0x23: {  	s31 =	sadd.s32 $0xFFFFFFFF, s11;
	s16 =	sshll.u32 @!p1 s16, $0xD;
	s14 =	ssub.s32 @!p1 s14, s15  }
0x24: {  	s15 =	sand.u32 @!p1 $0x2000, s16;
	s16 =	sadd.s32 @!p1 s6, s17;
	s14 =	sshll.u32 @!p1 s14, $0x4  }
0x25: {  	s17 =	simm.s32 @!p1 $0x6400;
	s14 =	sadd.s32 @!p1 s14, s16;
	s16 =	simm.s32 @!p1 $0x40  }
0x26: {  	[tilespmem:s15], [sflag:$0x1] =	stream.strided.gather @!p1 [hbm4b:s14+s16], $0x2000, s17, s16, $0x38;
	[tilespmem:$0x8080] =	vst v63  }
0x27: {  	p1 =	sge.u32 s31, s5  }
.Ltmp2:
0x28: {  	_ = 	snop;
	(pc) =	sbr.rel @p1 .LBB1_5-.Ltmp2, $1  }
0x29: {  	_ =	sdelay $0x3  }
0x2a: {  	s14 =	simm.s32 $0x1  }
0x2b: {  	_ =	swait.ge [sflag:s4], $0x2000;
	s14 =	simm.s32 @!p0 $0x0  }
0x2c: {  	[sflag:s4] =	ssyncset.done $0x0;
	s15 =	sshll.u32 s14, $0xD  }
0x2d: {  	[sflag:s4] =	ssyncadd.s32 $0xFFFFE000;
	s18 =	sor.u32 $0x20, s15  }
0x2e: {  	s14 =	smul.u32 $0x8100, s14;
	v3 =	vld [tilespmem:s18+$0x10]  }
0x2f: {  	s30 =	sand.u32 $0x1, s11;
	v2 =	vld [tilespmem:s18+$0xFFFFFFF0]  }
0x30: {  	s15 =	smul.u32 $0x8100, s30;
	s14 =	sshrl.u32 s14, $0x2;
	v0 =	vld [tilespmem:s18+$0x0]  }
0x31: {  	v1 =	vld [tilespmem:s18+$0xFFFFFFE0];
	s16 =	sor.u32 $0x4000, s14  }
0x32: {  	s31 =	sshrl.u32 s15, $0x2;
	s15 =	sadd.s32 $0x0, s16  }
0x33: {  	s17 =	simm.s32 $0x4;
	s18 =	sadd.s32 $0x40, s18;
	s14 =	sor.u32 $0x4000, s31;
	[tilespmem:s15+$0x1830 ss:$0x81] =	vst.msk $0xffff, v3  }
.LBB1_3:
0x34: {  	v3 =	vld [tilespmem:s18+$0x10];
	p1 =	sne.s32 s17, $0x1FC;
	[tilespmem:s15+$0x810 ss:$0x81] =	vst.msk $0xffff, v2;
	s19 =	smov.u32 s17;
	s17 =	sadd.s32 $0x4, s17  }
.Ltmp3:
0x35: {  	v2 =	vld [tilespmem:s18+$0xFFFFFFF0];
	[tilespmem:s15+$0x1020 ss:$0x81] =	vst.msk $0xffff, v0;
	(pc) =	sbr.rel @p1 .LBB1_3-.Ltmp3, $4  }
0x36: {  	v0 =	vld [tilespmem:s18+$0x0];
	[tilespmem:s15+$0x0 ss:$0x81] =	vst.msk $0xffff, v1  }
0x37: {  	s15 =	sshra.s32 s19, $0x2;
	v1 =	vld [tilespmem:s18+$0xFFFFFFE0]  }
0x38: {  	s15 =	sadd.s32 s15, s16  }
0x39: {  	s18 =	sadd.s32 $0x40, s18;
	[tilespmem:s15+$0x1830 ss:$0x81] =	vst.msk $0xffff, v3  }
.Ltmp4:
0x3a: {  	_ = 	snop;
	(pc) =	sbr.rel .LBB1_4-.Ltmp4, $1  }
0x3b: {  	_ =	sdelay $0x3  }
.LBB1_6:
0x3c: {  	_ =	sfence.sel $0x180000  }
0x3d: {  	s2 =	simm.s32 $0x1;
	[bflag:$0x0] =	sbarrier.arrive $0xFFFF  }
0x3e: {  	s31 =	simm.s32 $0x2;
	[sflag:s2] =	ssyncpa.u1 $0x1  }
0x3f: {  	[sflag:s31] =	ssyncpa.u1 $0x1  }
0x40: {  	p0 =	sne.s32 s0, $0x0;
	_ =	strace $0x9000004A  }
0x41: {  	s0 =	sadd.s32 @!p0 $0x100000, s1;
	[bflag:$0x2] =	sbarrier.arrive $0xFFFF  }
0x42: {  	[sflag:s0] =	ssyncadd.tile.s32 @!p0 $0x1;
	_ =	shalt  }
.Lfunc_end1:
_tile_overlayer_lowered:
.L_overlay_start_2:
0x43: {  	(tag) =	ssettag $0x2  }
0x44: {  	s0 =	rddreg [dreg:$0x0];
	s2 =	stileid.u32  }
0x45: {  	s1 =	rddreg [dreg:$0x1];
	p0 =	sne.s32 s2, $0x0  }
0x46: {  	s3 =	rddreg [dreg:$0x2];
	[bflag:$0x3] =	sbarrier.arrive $0xFFFF;
	s2 =	simm.s32 @!p0 $0x1C01  }
0x47: {  	[timem:s3], [sflag:s2] =	dma.local @!p0 [hbm:s0], s1  }
0x48: {  	s0 =	simm.s32 @!p0 $0x1  }
0x49: {  	_ =	swait.ge @!p0 [sflag:s0], s1  }
0x4a: {  	s1 =	ssub.s32 @!p0 $0x0, s1;
	[sflag:s0] =	ssyncset.done @!p0 $0x0  }
0x4b: {  	[sflag:s0] =	ssyncadd.s32 @!p0 s1  }
0x4c: {  	[bflag:$0x3] =	sbarrier.arrive $0xFFFF  }
0x4d: {  	_ =	shalt  }

</sc_bundles>
